<compile_context>
chip_gen: v7x
topology: tpu7x:2x2x1
jax: 0.10.2.dev20260603
libtpu: 0.0.44.dev20260713+nightly
codegen_flags: <defaults>
</compile_context>

<pallas_src>
import functools

import jax
import jax.numpy as jnp
from jax import lax
from jax.experimental import pallas as pl
from jax.experimental.pallas import tpu as pltpu
from jax.experimental.pallas import tpu_sc as plsc


def _make_sc_kernel(E, N, D, NW, CHUNK, NBUF=4, SKEW=2):
    e_per_w = E // NW
    n_full = e_per_w // CHUNK
    tail = e_per_w - n_full * CHUNK
    n_pipe = n_full // NBUF * NBUF
    mesh = plsc.VectorSubcoreMesh(core_axis_name="c", subcore_axis_name="s")

    @functools.partial(
        pl.kernel,
        mesh=mesh,
        out_type=jax.ShapeDtypeStruct((E, 3 * D), jnp.float32),
        scratch_types=[
            pltpu.VMEM((e_per_w,), jnp.int32),
            pltpu.VMEM((e_per_w,), jnp.int32),
        ] + [pltpu.VMEM((CHUNK, 3 * D), jnp.float32)] * NBUF
          + [pltpu.SemaphoreType.DMA] * (2 * NBUF),
    )
    def sc_gather(edge_hbm, node_hbm, src_hbm, dst_hbm, out_hbm,
                  srcv, dstv, *scratch):
        cbs = scratch[:NBUF]
        lsems = scratch[NBUF:2 * NBUF]
        wsems = scratch[2 * NBUF:3 * NBUF]
        wid = lax.axis_index("s") * 2 + lax.axis_index("c")
        base = wid * e_per_w
        pltpu.sync_copy(src_hbm.at[pl.ds(base, e_per_w)], srcv)
        pltpu.sync_copy(dst_hbm.at[pl.ds(base, e_per_w)], dstv)

        bufs = tuple(
            (cbs[b], lsems[b], wsems[b]) for b in range(NBUF))

        def load_copies(c, b, size=CHUNK):
            cb, ls, _ = bufs[b]
            off = c * CHUNK
            row = base + off
            rs = pl.ds(0, size)
            return (
                pltpu.make_async_copy(
                    edge_hbm.at[pl.ds(row, size)],
                    cb.at[rs, pl.ds(0, D)], ls),
                pltpu.make_async_copy(
                    node_hbm.at[srcv.at[pl.ds(off, size)]],
                    cb.at[rs, pl.ds(D, D)], ls),
                pltpu.make_async_copy(
                    node_hbm.at[dstv.at[pl.ds(off, size)]],
                    cb.at[rs, pl.ds(2 * D, D)], ls),
            )

        def write_copies(c, b, size=CHUNK):
            cb, _, ws = bufs[b]
            row = base + c * CHUNK
            return (
                pltpu.make_async_copy(
                    cb.at[pl.ds(0, size)], out_hbm.at[pl.ds(row, size)], ws),
            )

        def start(copies):
            for cp in copies:
                cp.start()

        def wait(copies):
            for cp in copies:
                cp.wait()

        for c in range(SKEW):
            start(load_copies(c, c % NBUF))

        def group(g, carry):
            for b in range(NBUF):
                c = g * NBUF + b
                cl = c + SKEW
                bl = (b + SKEW) % NBUF

                @pl.when((cl >= NBUF) & (cl < n_pipe))
                def _():
                    wait(write_copies(cl - NBUF, bl))

                @pl.when(cl < n_pipe)
                def _():
                    start(load_copies(cl, bl))

                wait(load_copies(c, b))
                start(write_copies(c, b))
            return carry

        lax.fori_loop(0, n_pipe // NBUF, group, 0)
        for j in range(NBUF):
            c = n_pipe - NBUF + j
            wait(write_copies(c, c % NBUF))

        for c, size in [(c, CHUNK) for c in range(n_pipe, n_full)] + \
                       ([(n_full, tail)] if tail else []):
            start(load_copies(c, 0, size))
            wait(load_copies(c, 0, size))
            start(write_copies(c, 0, size))
            wait(write_copies(c, 0, size))

    return sc_gather


def kernel(edge_feat, node_feat, edge_index):
    E, D = edge_feat.shape
    N = node_feat.shape[0]
    src = edge_index[0].astype(jnp.int32)
    dst = edge_index[1].astype(jnp.int32)
    fn = _make_sc_kernel(E, N, D, NW=32, CHUNK=64, NBUF=4, SKEW=2)
    return fn(edge_feat, node_feat, src, dst)

# --- scband reference (transcript-rebuilt; emitter-appended) ---
"""Pipeline reference for scband-gather-12025908429135 (READ-ONLY COPY).

The authoritative reference and input builder live on the scoring server;
editing this copy changes nothing except your own understanding.
"""

import jax, jax.numpy as jnp
import numpy as np

N_NODES = 10000
N_EDGES = 320000
D_FEAT = 128

def setup_inputs(seed: int = 0) -> dict:
    key = jax.random.key(seed)
    k1, k2, k3 = jax.random.split(key, 3)
    edge_feat = jax.random.normal(k1, (N_EDGES, D_FEAT), dtype=jnp.float32)
    node_feat = jax.random.normal(k2, (N_NODES, D_FEAT), dtype=jnp.float32)
    edge_index = jax.random.randint(k3, (2, N_EDGES), 0, N_NODES, dtype=jnp.int64)
    return {"edge_feat": edge_feat, "node_feat": node_feat, "edge_index": edge_index}

def reference(edge_feat, node_feat, edge_index):
    # broadcast_node_to_edges(SOURCE): gather node features at source node indices
    source_bcast = jnp.take(node_feat, edge_index[0], axis=0)
    # broadcast_node_to_edges(TARGET): gather node features at target node indices
    target_bcast = jnp.take(node_feat, edge_index[1], axis=0)
    # concat edge hidden state with broadcast source/target node states
    new = jnp.concatenate([edge_feat, source_bcast, target_bcast], axis=1)
    return new

if __name__ == "__main__":
    import jax
    _d = setup_inputs()
    print(jax.jit(kernel)(*tuple(_d.values())))

</pallas_src>

<mosaic_0001>
#map = affine_map<(d0, d1) -> (0, 0)>
#map1 = affine_map<(d0, d1) -> (0)>
module attributes {stable_mosaic.version = 14 : i64} {
  func.func @sc_gather(%arg0: i32, %arg1: i32, %arg2: memref<320000x128xf32, #tpu.memory_space<hbm>>, %arg3: memref<10000x128xf32, #tpu.memory_space<hbm>>, %arg4: memref<320000xi32, #tpu.memory_space<hbm>>, %arg5: memref<320000xi32, #tpu.memory_space<hbm>>, %arg6: memref<320000x384xf32, #tpu.memory_space<hbm>>, %arg7: memref<10000xi32, #tpu.memory_space<vmem>>, %arg8: memref<10000xi32, #tpu.memory_space<vmem>>, %arg9: memref<64x384xf32, #tpu.memory_space<vmem>>, %arg10: memref<64x384xf32, #tpu.memory_space<vmem>>, %arg11: memref<64x384xf32, #tpu.memory_space<vmem>>, %arg12: memref<64x384xf32, #tpu.memory_space<vmem>>, %arg13: memref<!tpu.dma_semaphore, #tpu.memory_space<semaphore_mem>>, %arg14: memref<!tpu.dma_semaphore, #tpu.memory_space<semaphore_mem>>, %arg15: memref<!tpu.dma_semaphore, #tpu.memory_space<semaphore_mem>>, %arg16: memref<!tpu.dma_semaphore, #tpu.memory_space<semaphore_mem>>, %arg17: memref<!tpu.dma_semaphore, #tpu.memory_space<semaphore_mem>>, %arg18: memref<!tpu.dma_semaphore, #tpu.memory_space<semaphore_mem>>, %arg19: memref<!tpu.dma_semaphore, #tpu.memory_space<semaphore_mem>>, %arg20: memref<!tpu.dma_semaphore, #tpu.memory_space<semaphore_mem>>) attributes {dimension_semantics = [#tpu.dimension_semantics<core_parallel>, #tpu.dimension_semantics<subcore_parallel>], iteration_bounds = array<i64: 2, 16>, scalar_prefetch = 0 : i64, scratch_operands = 14 : i64, tpu.core_type = #tpu.core_type<sc_vector_subcore>, window_params = [{transform_indices = #map}, {transform_indices = #map}, {transform_indices = #map1}, {transform_indices = #map1}, {transform_indices = #map}]} {
    %mul3A = arith.constant 2 : i32
    %mul3A_0 = arith.muli %arg1, %mul3A : i32
    %add3A = arith.addi %mul3A_0, %arg0 : i32
    %mul3A_1 = arith.constant 10000 : i32
    %mul3A_2 = arith.muli %add3A, %mul3A_1 : i32
    "tpu.region"() ({
      %run_scoped3A = tpu.sem_alloc : memref<!tpu.dma_semaphore, #tpu.memory_space<semaphore_mem>>
      %dma_start3A_190 = tpu.memref_slice %arg4[%mul3A_2] : memref<320000xi32, #tpu.memory_space<hbm>> -> memref<10000xi32, #tpu.memory_space<hbm>>
      %dma_start3A_191 = tpu.memref_slice %arg4[%mul3A_2] : memref<320000xi32, #tpu.memory_space<hbm>> -> memref<10000xi32, #tpu.memory_space<hbm>>
      tpu.enqueue_dma source(%dma_start3A_191 : memref<10000xi32, #tpu.memory_space<hbm>>) target(%arg7 : memref<10000xi32, #tpu.memory_space<vmem>>) target_semaphore(%run_scoped3A : memref<!tpu.dma_semaphore, #tpu.memory_space<semaphore_mem>>)
      %dma_wait3A_192 = tpu.memref_slice %arg4[%mul3A_2] : memref<320000xi32, #tpu.memory_space<hbm>> -> memref<10000xi32, #tpu.memory_space<hbm>>
      %dma_wait3A_193 = tpu.memref_slice %arg4[%mul3A_2] : memref<320000xi32, #tpu.memory_space<hbm>> -> memref<10000xi32, #tpu.memory_space<hbm>>
      tpu.wait_dma2 semaphore(%run_scoped3A : memref<!tpu.dma_semaphore, #tpu.memory_space<semaphore_mem>>) src(%dma_wait3A_193 : memref<10000xi32, #tpu.memory_space<hbm>>) dst(%arg7 : memref<10000xi32, #tpu.memory_space<vmem>>)
      tpu.yield
    }) : () -> ()
    "tpu.region"() ({
      %run_scoped3A = tpu.sem_alloc : memref<!tpu.dma_semaphore, #tpu.memory_space<semaphore_mem>>
      %dma_start3A_190 = tpu.memref_slice %arg5[%mul3A_2] : memref<320000xi32, #tpu.memory_space<hbm>> -> memref<10000xi32, #tpu.memory_space<hbm>>
      %dma_start3A_191 = tpu.memref_slice %arg5[%mul3A_2] : memref<320000xi32, #tpu.memory_space<hbm>> -> memref<10000xi32, #tpu.memory_space<hbm>>
      tpu.enqueue_dma source(%dma_start3A_191 : memref<10000xi32, #tpu.memory_space<hbm>>) target(%arg8 : memref<10000xi32, #tpu.memory_space<vmem>>) target_semaphore(%run_scoped3A : memref<!tpu.dma_semaphore, #tpu.memory_space<semaphore_mem>>)
      %dma_wait3A_192 = tpu.memref_slice %arg5[%mul3A_2] : memref<320000xi32, #tpu.memory_space<hbm>> -> memref<10000xi32, #tpu.memory_space<hbm>>
      %dma_wait3A_193 = tpu.memref_slice %arg5[%mul3A_2] : memref<320000xi32, #tpu.memory_space<hbm>> -> memref<10000xi32, #tpu.memory_space<hbm>>
      tpu.wait_dma2 semaphore(%run_scoped3A : memref<!tpu.dma_semaphore, #tpu.memory_space<semaphore_mem>>) src(%dma_wait3A_193 : memref<10000xi32, #tpu.memory_space<hbm>>) dst(%arg8 : memref<10000xi32, #tpu.memory_space<vmem>>)
      tpu.yield
    }) : () -> ()
    %add3A_3 = arith.constant 0 : i32
    %add3A_4 = arith.addi %mul3A_2, %add3A_3 : i32
    %dma_start3A = arith.constant 0 : i32
    %dma_start3A_5 = arith.constant 0 : i32
    %dma_start3A_6 = tpu.memref_slice %arg9[%dma_start3A, %dma_start3A_5] : memref<64x384xf32, #tpu.memory_space<vmem>> -> memref<64x128xf32, #tpu.memory_space<vmem>>
    %dma_start3A_7 = arith.constant 0 : i32
    %dma_start3A_8 = tpu.memref_slice %arg2[%add3A_4, %dma_start3A_7] : memref<320000x128xf32, #tpu.memory_space<hbm>> -> memref<64x128xf32, #tpu.memory_space<hbm>>
    %dma_start3A_9 = arith.constant 0 : i32
    %dma_start3A_10 = arith.constant 0 : i32
    %dma_start3A_11 = tpu.memref_slice %arg9[%dma_start3A_9, %dma_start3A_10] : memref<64x384xf32, #tpu.memory_space<vmem>> -> memref<64x128xf32, #tpu.memory_space<vmem>>
    %dma_start3A_12 = arith.constant 0 : i32
    %dma_start3A_13 = tpu.memref_slice %arg2[%add3A_4, %dma_start3A_12] : memref<320000x128xf32, #tpu.memory_space<hbm>> -> memref<64x128xf32, #tpu.memory_space<hbm>>
    tpu.enqueue_dma source(%dma_start3A_13 : memref<64x128xf32, #tpu.memory_space<hbm>>) target(%dma_start3A_11 : memref<64x128xf32, #tpu.memory_space<vmem>>) target_semaphore(%arg13 : memref<!tpu.dma_semaphore, #tpu.memory_space<semaphore_mem>>)
    %dma_start3A_14 = arith.constant 0 : i32
    %dma_start3A_15 = arith.constant 128 : i32
    %dma_start3A_16 = tpu.memref_slice %arg9[%dma_start3A_14, %dma_start3A_15] : memref<64x384xf32, #tpu.memory_space<vmem>> -> memref<64x128xf32, #tpu.memory_space<vmem>>
    %dma_start3A_17 = arith.constant 0 : i32
    %dma_start3A_18 = tpu.memref_slice %arg7[%dma_start3A_17] : memref<10000xi32, #tpu.memory_space<vmem>> -> memref<64xi32, #tpu.memory_space<vmem>>
    %dma_start3A_19 = arith.constant 0 : i32
    %dma_start3A_20 = arith.constant 0 : i32
    %dma_start3A_21 = tpu.memref_slice %arg3[%dma_start3A_19, %dma_start3A_20] : memref<10000x128xf32, #tpu.memory_space<hbm>> -> memref<10000x128xf32, #tpu.memory_space<hbm>>
    tpu.enqueue_indirect_dma source(%dma_start3A_21 : memref<10000x128xf32, #tpu.memory_space<hbm>>) target(%dma_start3A_16 : memref<64x128xf32, #tpu.memory_space<vmem>>) offsets(%dma_start3A_18 : memref<64xi32, #tpu.memory_space<vmem>>) semaphore(%arg13 : memref<!tpu.dma_semaphore, #tpu.memory_space<semaphore_mem>>)
    %dma_start3A_22 = arith.constant 0 : i32
    %dma_start3A_23 = arith.constant 256 : i32
    %dma_start3A_24 = tpu.memref_slice %arg9[%dma_start3A_22, %dma_start3A_23] : memref<64x384xf32, #tpu.memory_space<vmem>> -> memref<64x128xf32, #tpu.memory_space<vmem>>
    %dma_start3A_25 = arith.constant 0 : i32
    %dma_start3A_26 = tpu.memref_slice %arg8[%dma_start3A_25] : memref<10000xi32, #tpu.memory_space<vmem>> -> memref<64xi32, #tpu.memory_space<vmem>>
    %dma_start3A_27 = arith.constant 0 : i32
    %dma_start3A_28 = arith.constant 0 : i32
    %dma_start3A_29 = tpu.memref_slice %arg3[%dma_start3A_27, %dma_start3A_28] : memref<10000x128xf32, #tpu.memory_space<hbm>> -> memref<10000x128xf32, #tpu.memory_space<hbm>>
    tpu.enqueue_indirect_dma source(%dma_start3A_29 : memref<10000x128xf32, #tpu.memory_space<hbm>>) target(%dma_start3A_24 : memref<64x128xf32, #tpu.memory_space<vmem>>) offsets(%dma_start3A_26 : memref<64xi32, #tpu.memory_space<vmem>>) semaphore(%arg13 : memref<!tpu.dma_semaphore, #tpu.memory_space<semaphore_mem>>)
    %add3A_30 = arith.constant 64 : i32
    %add3A_31 = arith.addi %mul3A_2, %add3A_30 : i32
    %dma_start3A_32 = arith.constant 0 : i32
    %dma_start3A_33 = arith.constant 0 : i32
    %dma_start3A_34 = tpu.memref_slice %arg10[%dma_start3A_32, %dma_start3A_33] : memref<64x384xf32, #tpu.memory_space<vmem>> -> memref<64x128xf32, #tpu.memory_space<vmem>>
    %dma_start3A_35 = arith.constant 0 : i32
    %dma_start3A_36 = tpu.memref_slice %arg2[%add3A_31, %dma_start3A_35] : memref<320000x128xf32, #tpu.memory_space<hbm>> -> memref<64x128xf32, #tpu.memory_space<hbm>>
    %dma_start3A_37 = arith.constant 0 : i32
    %dma_start3A_38 = arith.constant 0 : i32
    %dma_start3A_39 = tpu.memref_slice %arg10[%dma_start3A_37, %dma_start3A_38] : memref<64x384xf32, #tpu.memory_space<vmem>> -> memref<64x128xf32, #tpu.memory_space<vmem>>
    %dma_start3A_40 = arith.constant 0 : i32
    %dma_start3A_41 = tpu.memref_slice %arg2[%add3A_31, %dma_start3A_40] : memref<320000x128xf32, #tpu.memory_space<hbm>> -> memref<64x128xf32, #tpu.memory_space<hbm>>
    tpu.enqueue_dma source(%dma_start3A_41 : memref<64x128xf32, #tpu.memory_space<hbm>>) target(%dma_start3A_39 : memref<64x128xf32, #tpu.memory_space<vmem>>) target_semaphore(%arg14 : memref<!tpu.dma_semaphore, #tpu.memory_space<semaphore_mem>>)
    %dma_start3A_42 = arith.constant 0 : i32
    %dma_start3A_43 = arith.constant 128 : i32
    %dma_start3A_44 = tpu.memref_slice %arg10[%dma_start3A_42, %dma_start3A_43] : memref<64x384xf32, #tpu.memory_space<vmem>> -> memref<64x128xf32, #tpu.memory_space<vmem>>
    %dma_start3A_45 = arith.constant 64 : i32
    %dma_start3A_46 = tpu.memref_slice %arg7[%dma_start3A_45] : memref<10000xi32, #tpu.memory_space<vmem>> -> memref<64xi32, #tpu.memory_space<vmem>>
    %dma_start3A_47 = arith.constant 0 : i32
    %dma_start3A_48 = arith.constant 0 : i32
    %dma_start3A_49 = tpu.memref_slice %arg3[%dma_start3A_47, %dma_start3A_48] : memref<10000x128xf32, #tpu.memory_space<hbm>> -> memref<10000x128xf32, #tpu.memory_space<hbm>>
    tpu.enqueue_indirect_dma source(%dma_start3A_49 : memref<10000x128xf32, #tpu.memory_space<hbm>>) target(%dma_start3A_44 : memref<64x128xf32, #tpu.memory_space<vmem>>) offsets(%dma_start3A_46 : memref<64xi32, #tpu.memory_space<vmem>>) semaphore(%arg14 : memref<!tpu.dma_semaphore, #tpu.memory_space<semaphore_mem>>)
    %dma_start3A_50 = arith.constant 0 : i32
    %dma_start3A_51 = arith.constant 256 : i32
    %dma_start3A_52 = tpu.memref_slice %arg10[%dma_start3A_50, %dma_start3A_51] : memref<64x384xf32, #tpu.memory_space<vmem>> -> memref<64x128xf32, #tpu.memory_space<vmem>>
    %dma_start3A_53 = arith.constant 64 : i32
    %dma_start3A_54 = tpu.memref_slice %arg8[%dma_start3A_53] : memref<10000xi32, #tpu.memory_space<vmem>> -> memref<64xi32, #tpu.memory_space<vmem>>
    %dma_start3A_55 = arith.constant 0 : i32
    %dma_start3A_56 = arith.constant 0 : i32
    %dma_start3A_57 = tpu.memref_slice %arg3[%dma_start3A_55, %dma_start3A_56] : memref<10000x128xf32, #tpu.memory_space<hbm>> -> memref<10000x128xf32, #tpu.memory_space<hbm>>
    tpu.enqueue_indirect_dma source(%dma_start3A_57 : memref<10000x128xf32, #tpu.memory_space<hbm>>) target(%dma_start3A_52 : memref<64x128xf32, #tpu.memory_space<vmem>>) offsets(%dma_start3A_54 : memref<64xi32, #tpu.memory_space<vmem>>) semaphore(%arg14 : memref<!tpu.dma_semaphore, #tpu.memory_space<semaphore_mem>>)
    %scan3A = arith.constant 0 : i32
    %scan3A_58 = arith.constant 0 : i32
    %scan3A_59 = arith.constant 39 : i32
    %scan3A_60 = arith.addi %scan3A_58, %scan3A_59 : i32
    %scan3A_61 = arith.constant 1 : i32
    scf.for %scan3A_190 = %scan3A_58 to %scan3A_60 step %scan3A_61  : i32 {
      %mul3A_191 = arith.constant 4 : i32
      %mul3A_192 = arith.muli %scan3A_190, %mul3A_191 : i32
      %add3A_193 = arith.constant 0 : i32
      %add3A_194 = arith.addi %mul3A_192, %add3A_193 : i32
      %add3A_195 = arith.constant 2 : i32
      %add3A_196 = arith.addi %add3A_194, %add3A_195 : i32
      %ge3A = arith.constant 4 : i32
      %ge3A_197 = arith.cmpi sge, %add3A_196, %ge3A : i32
      %lt3A = arith.constant 156 : i32
      %lt3A_198 = arith.cmpi slt, %add3A_196, %lt3A : i32
      %and3A = arith.andi %ge3A_197, %lt3A_198 : i1
      %convert_element_type3A = arith.extui %and3A : i1 to i32
      %cond3A = arith.constant 0 : i32
      %cond3A_199 = arith.cmpi ne, %convert_element_type3A, %cond3A : i32
      scf.if %cond3A_199 {
        %sub3A = arith.constant 4 : i32
        %sub3A_422 = arith.subi %add3A_196, %sub3A : i32
        %mul3A_423 = arith.constant 64 : i32
        %mul3A_424 = arith.muli %sub3A_422, %mul3A_423 : i32
        %add3A_425 = arith.addi %mul3A_2, %mul3A_424 : i32
        %dma_wait3A_426 = arith.constant 0 : i32
        %dma_wait3A_427 = arith.constant 0 : i32
        %dma_wait3A_428 = tpu.memref_slice %arg11[%dma_wait3A_426, %dma_wait3A_427] : memref<64x384xf32, #tpu.memory_space<vmem>> -> memref<64x384xf32, #tpu.memory_space<vmem>>
        %dma_wait3A_429 = arith.constant 0 : i32
        %dma_wait3A_430 = tpu.memref_slice %arg6[%add3A_425, %dma_wait3A_429] : memref<320000x384xf32, #tpu.memory_space<hbm>> -> memref<64x384xf32, #tpu.memory_space<hbm>>
        %dma_wait3A_431 = arith.constant 0 : i32
        %dma_wait3A_432 = tpu.memref_slice %arg6[%add3A_425, %dma_wait3A_431] : memref<320000x384xf32, #tpu.memory_space<hbm>> -> memref<64x384xf32, #tpu.memory_space<hbm>>
        %dma_wait3A_433 = arith.constant 0 : i32
        %dma_wait3A_434 = arith.constant 0 : i32
        %dma_wait3A_435 = tpu.memref_slice %arg11[%dma_wait3A_433, %dma_wait3A_434] : memref<64x384xf32, #tpu.memory_space<vmem>> -> memref<64x384xf32, #tpu.memory_space<vmem>>
        tpu.wait_dma2 semaphore(%arg19 : memref<!tpu.dma_semaphore, #tpu.memory_space<semaphore_mem>>) src(%dma_wait3A_435 : memref<64x384xf32, #tpu.memory_space<vmem>>) dst(%dma_wait3A_432 : memref<64x384xf32, #tpu.memory_space<hbm>>)
      } else {
      }
      %lt3A_200 = arith.constant 156 : i32
      %lt3A_201 = arith.cmpi slt, %add3A_196, %lt3A_200 : i32
      %convert_element_type3A_202 = arith.extui %lt3A_201 : i1 to i32
      %cond3A_203 = arith.constant 0 : i32
      %cond3A_204 = arith.cmpi ne, %convert_element_type3A_202, %cond3A_203 : i32
      scf.if %cond3A_204 {
        %mul3A_422 = arith.constant 64 : i32
        %mul3A_423 = arith.muli %add3A_196, %mul3A_422 : i32
        %add3A_424 = arith.addi %mul3A_2, %mul3A_423 : i32
        %dma_start3A_425 = arith.constant 0 : i32
        %dma_start3A_426 = arith.constant 0 : i32
        %dma_start3A_427 = tpu.memref_slice %arg11[%dma_start3A_425, %dma_start3A_426] : memref<64x384xf32, #tpu.memory_space<vmem>> -> memref<64x128xf32, #tpu.memory_space<vmem>>
        %dma_start3A_428 = arith.constant 0 : i32
        %dma_start3A_429 = tpu.memref_slice %arg2[%add3A_424, %dma_start3A_428] : memref<320000x128xf32, #tpu.memory_space<hbm>> -> memref<64x128xf32, #tpu.memory_space<hbm>>
        %dma_start3A_430 = arith.constant 0 : i32
        %dma_start3A_431 = arith.constant 0 : i32
        %dma_start3A_432 = tpu.memref_slice %arg11[%dma_start3A_430, %dma_start3A_431] : memref<64x384xf32, #tpu.memory_space<vmem>> -> memref<64x128xf32, #tpu.memory_space<vmem>>
        %dma_start3A_433 = arith.constant 0 : i32
        %dma_start3A_434 = tpu.memref_slice %arg2[%add3A_424, %dma_start3A_433] : memref<320000x128xf32, #tpu.memory_space<hbm>> -> memref<64x128xf32, #tpu.memory_space<hbm>>
        tpu.enqueue_dma source(%dma_start3A_434 : memref<64x128xf32, #tpu.memory_space<hbm>>) target(%dma_start3A_432 : memref<64x128xf32, #tpu.memory_space<vmem>>) target_semaphore(%arg15 : memref<!tpu.dma_semaphore, #tpu.memory_space<semaphore_mem>>)
        %dma_start3A_435 = arith.constant 0 : i32
        %dma_start3A_436 = arith.constant 128 : i32
        %dma_start3A_437 = tpu.memref_slice %arg11[%dma_start3A_435, %dma_start3A_436] : memref<64x384xf32, #tpu.memory_space<vmem>> -> memref<64x128xf32, #tpu.memory_space<vmem>>
        %dma_start3A_438 = tpu.memref_slice %arg7[%mul3A_423] : memref<10000xi32, #tpu.memory_space<vmem>> -> memref<64xi32, #tpu.memory_space<vmem>>
        %dma_start3A_439 = arith.constant 0 : i32
        %dma_start3A_440 = arith.constant 0 : i32
        %dma_start3A_441 = tpu.memref_slice %arg3[%dma_start3A_439, %dma_start3A_440] : memref<10000x128xf32, #tpu.memory_space<hbm>> -> memref<10000x128xf32, #tpu.memory_space<hbm>>
        tpu.enqueue_indirect_dma source(%dma_start3A_441 : memref<10000x128xf32, #tpu.memory_space<hbm>>) target(%dma_start3A_437 : memref<64x128xf32, #tpu.memory_space<vmem>>) offsets(%dma_start3A_438 : memref<64xi32, #tpu.memory_space<vmem>>) semaphore(%arg15 : memref<!tpu.dma_semaphore, #tpu.memory_space<semaphore_mem>>)
        %dma_start3A_442 = arith.constant 0 : i32
        %dma_start3A_443 = arith.constant 256 : i32
        %dma_start3A_444 = tpu.memref_slice %arg11[%dma_start3A_442, %dma_start3A_443] : memref<64x384xf32, #tpu.memory_space<vmem>> -> memref<64x128xf32, #tpu.memory_space<vmem>>
        %dma_start3A_445 = tpu.memref_slice %arg8[%mul3A_423] : memref<10000xi32, #tpu.memory_space<vmem>> -> memref<64xi32, #tpu.memory_space<vmem>>
        %dma_start3A_446 = arith.constant 0 : i32
        %dma_start3A_447 = arith.constant 0 : i32
        %dma_start3A_448 = tpu.memref_slice %arg3[%dma_start3A_446, %dma_start3A_447] : memref<10000x128xf32, #tpu.memory_space<hbm>> -> memref<10000x128xf32, #tpu.memory_space<hbm>>
        tpu.enqueue_indirect_dma source(%dma_start3A_448 : memref<10000x128xf32, #tpu.memory_space<hbm>>) target(%dma_start3A_444 : memref<64x128xf32, #tpu.memory_space<vmem>>) offsets(%dma_start3A_445 : memref<64xi32, #tpu.memory_space<vmem>>) semaphore(%arg15 : memref<!tpu.dma_semaphore, #tpu.memory_space<semaphore_mem>>)
      } else {
      }
      %mul3A_205 = arith.constant 64 : i32
      %mul3A_206 = arith.muli %add3A_194, %mul3A_205 : i32
      %add3A_207 = arith.addi %mul3A_2, %mul3A_206 : i32
      %dma_wait3A_208 = arith.constant 0 : i32
      %dma_wait3A_209 = arith.constant 0 : i32
      %dma_wait3A_210 = tpu.memref_slice %arg9[%dma_wait3A_208, %dma_wait3A_209] : memref<64x384xf32, #tpu.memory_space<vmem>> -> memref<64x128xf32, #tpu.memory_space<vmem>>
      %dma_wait3A_211 = arith.constant 0 : i32
      %dma_wait3A_212 = tpu.memref_slice %arg2[%add3A_207, %dma_wait3A_211] : memref<320000x128xf32, #tpu.memory_space<hbm>> -> memref<64x128xf32, #tpu.memory_space<hbm>>
      %dma_wait3A_213 = arith.constant 0 : i32
      %dma_wait3A_214 = arith.constant 0 : i32
      %dma_wait3A_215 = tpu.memref_slice %arg9[%dma_wait3A_213, %dma_wait3A_214] : memref<64x384xf32, #tpu.memory_space<vmem>> -> memref<64x128xf32, #tpu.memory_space<vmem>>
      %dma_wait3A_216 = arith.constant 0 : i32
      %dma_wait3A_217 = tpu.memref_slice %arg2[%add3A_207, %dma_wait3A_216] : memref<320000x128xf32, #tpu.memory_space<hbm>> -> memref<64x128xf32, #tpu.memory_space<hbm>>
      tpu.wait_dma2 semaphore(%arg13 : memref<!tpu.dma_semaphore, #tpu.memory_space<semaphore_mem>>) src(%dma_wait3A_217 : memref<64x128xf32, #tpu.memory_space<hbm>>) dst(%dma_wait3A_215 : memref<64x128xf32, #tpu.memory_space<vmem>>)
      %dma_wait3A_218 = arith.constant 0 : i32
      %dma_wait3A_219 = arith.constant 128 : i32
      %dma_wait3A_220 = tpu.memref_slice %arg9[%dma_wait3A_218, %dma_wait3A_219] : memref<64x384xf32, #tpu.memory_space<vmem>> -> memref<64x128xf32, #tpu.memory_space<vmem>>
      %dma_wait3A_221 = tpu.memref_slice %arg7[%mul3A_206] : memref<10000xi32, #tpu.memory_space<vmem>> -> memref<64xi32, #tpu.memory_space<vmem>>
      %dma_wait3A_222 = arith.constant 0 : i32
      %dma_wait3A_223 = arith.constant 0 : i32
      %dma_wait3A_224 = tpu.memref_slice %arg3[%dma_wait3A_222, %dma_wait3A_223] : memref<10000x128xf32, #tpu.memory_space<hbm>> -> memref<10000x128xf32, #tpu.memory_space<hbm>>
      tpu.wait_indirect_dma semaphore(%arg13 : memref<!tpu.dma_semaphore, #tpu.memory_space<semaphore_mem>>) src(%dma_wait3A_224 : memref<10000x128xf32, #tpu.memory_space<hbm>>) dst(%dma_wait3A_220 : memref<64x128xf32, #tpu.memory_space<vmem>>)
      %dma_wait3A_225 = arith.constant 0 : i32
      %dma_wait3A_226 = arith.constant 256 : i32
      %dma_wait3A_227 = tpu.memref_slice %arg9[%dma_wait3A_225, %dma_wait3A_226] : memref<64x384xf32, #tpu.memory_space<vmem>> -> memref<64x128xf32, #tpu.memory_space<vmem>>
      %dma_wait3A_228 = tpu.memref_slice %arg8[%mul3A_206] : memref<10000xi32, #tpu.memory_space<vmem>> -> memref<64xi32, #tpu.memory_space<vmem>>
      %dma_wait3A_229 = arith.constant 0 : i32
      %dma_wait3A_230 = arith.constant 0 : i32
      %dma_wait3A_231 = tpu.memref_slice %arg3[%dma_wait3A_229, %dma_wait3A_230] : memref<10000x128xf32, #tpu.memory_space<hbm>> -> memref<10000x128xf32, #tpu.memory_space<hbm>>
      tpu.wait_indirect_dma semaphore(%arg13 : memref<!tpu.dma_semaphore, #tpu.memory_space<semaphore_mem>>) src(%dma_wait3A_231 : memref<10000x128xf32, #tpu.memory_space<hbm>>) dst(%dma_wait3A_227 : memref<64x128xf32, #tpu.memory_space<vmem>>)
      %mul3A_232 = arith.constant 64 : i32
      %mul3A_233 = arith.muli %add3A_194, %mul3A_232 : i32
      %add3A_234 = arith.addi %mul3A_2, %mul3A_233 : i32
      %dma_start3A_235 = arith.constant 0 : i32
      %dma_start3A_236 = arith.constant 0 : i32
      %dma_start3A_237 = tpu.memref_slice %arg9[%dma_start3A_235, %dma_start3A_236] : memref<64x384xf32, #tpu.memory_space<vmem>> -> memref<64x384xf32, #tpu.memory_space<vmem>>
      %dma_start3A_238 = arith.constant 0 : i32
      %dma_start3A_239 = tpu.memref_slice %arg6[%add3A_234, %dma_start3A_238] : memref<320000x384xf32, #tpu.memory_space<hbm>> -> memref<64x384xf32, #tpu.memory_space<hbm>>
      %dma_start3A_240 = arith.constant 0 : i32
      %dma_start3A_241 = tpu.memref_slice %arg6[%add3A_234, %dma_start3A_240] : memref<320000x384xf32, #tpu.memory_space<hbm>> -> memref<64x384xf32, #tpu.memory_space<hbm>>
      %dma_start3A_242 = arith.constant 0 : i32
      %dma_start3A_243 = arith.constant 0 : i32
      %dma_start3A_244 = tpu.memref_slice %arg9[%dma_start3A_242, %dma_start3A_243] : memref<64x384xf32, #tpu.memory_space<vmem>> -> memref<64x384xf32, #tpu.memory_space<vmem>>
      tpu.enqueue_dma source(%dma_start3A_244 : memref<64x384xf32, #tpu.memory_space<vmem>>) target(%dma_start3A_241 : memref<64x384xf32, #tpu.memory_space<hbm>>) target_semaphore(%arg17 : memref<!tpu.dma_semaphore, #tpu.memory_space<semaphore_mem>>)
      %mul3A_245 = arith.constant 4 : i32
      %mul3A_246 = arith.muli %scan3A_190, %mul3A_245 : i32
      %add3A_247 = arith.constant 1 : i32
      %add3A_248 = arith.addi %mul3A_246, %add3A_247 : i32
      %add3A_249 = arith.constant 2 : i32
      %add3A_250 = arith.addi %add3A_248, %add3A_249 : i32
      %ge3A_251 = arith.constant 4 : i32
      %ge3A_252 = arith.cmpi sge, %add3A_250, %ge3A_251 : i32
      %lt3A_253 = arith.constant 156 : i32
      %lt3A_254 = arith.cmpi slt, %add3A_250, %lt3A_253 : i32
      %and3A_255 = arith.andi %ge3A_252, %lt3A_254 : i1
      %convert_element_type3A_256 = arith.extui %and3A_255 : i1 to i32
      %cond3A_257 = arith.constant 0 : i32
      %cond3A_258 = arith.cmpi ne, %convert_element_type3A_256, %cond3A_257 : i32
      scf.if %cond3A_258 {
        %sub3A = arith.constant 4 : i32
        %sub3A_422 = arith.subi %add3A_250, %sub3A : i32
        %mul3A_423 = arith.constant 64 : i32
        %mul3A_424 = arith.muli %sub3A_422, %mul3A_423 : i32
        %add3A_425 = arith.addi %mul3A_2, %mul3A_424 : i32
        %dma_wait3A_426 = arith.constant 0 : i32
        %dma_wait3A_427 = arith.constant 0 : i32
        %dma_wait3A_428 = tpu.memref_slice %arg12[%dma_wait3A_426, %dma_wait3A_427] : memref<64x384xf32, #tpu.memory_space<vmem>> -> memref<64x384xf32, #tpu.memory_space<vmem>>
        %dma_wait3A_429 = arith.constant 0 : i32
        %dma_wait3A_430 = tpu.memref_slice %arg6[%add3A_425, %dma_wait3A_429] : memref<320000x384xf32, #tpu.memory_space<hbm>> -> memref<64x384xf32, #tpu.memory_space<hbm>>
        %dma_wait3A_431 = arith.constant 0 : i32
        %dma_wait3A_432 = tpu.memref_slice %arg6[%add3A_425, %dma_wait3A_431] : memref<320000x384xf32, #tpu.memory_space<hbm>> -> memref<64x384xf32, #tpu.memory_space<hbm>>
        %dma_wait3A_433 = arith.constant 0 : i32
        %dma_wait3A_434 = arith.constant 0 : i32
        %dma_wait3A_435 = tpu.memref_slice %arg12[%dma_wait3A_433, %dma_wait3A_434] : memref<64x384xf32, #tpu.memory_space<vmem>> -> memref<64x384xf32, #tpu.memory_space<vmem>>
        tpu.wait_dma2 semaphore(%arg20 : memref<!tpu.dma_semaphore, #tpu.memory_space<semaphore_mem>>) src(%dma_wait3A_435 : memref<64x384xf32, #tpu.memory_space<vmem>>) dst(%dma_wait3A_432 : memref<64x384xf32, #tpu.memory_space<hbm>>)
      } else {
      }
      %lt3A_259 = arith.constant 156 : i32
      %lt3A_260 = arith.cmpi slt, %add3A_250, %lt3A_259 : i32
      %convert_element_type3A_261 = arith.extui %lt3A_260 : i1 to i32
      %cond3A_262 = arith.constant 0 : i32
      %cond3A_263 = arith.cmpi ne, %convert_element_type3A_261, %cond3A_262 : i32
      scf.if %cond3A_263 {
        %mul3A_422 = arith.constant 64 : i32
        %mul3A_423 = arith.muli %add3A_250, %mul3A_422 : i32
        %add3A_424 = arith.addi %mul3A_2, %mul3A_423 : i32
        %dma_start3A_425 = arith.constant 0 : i32
        %dma_start3A_426 = arith.constant 0 : i32
        %dma_start3A_427 = tpu.memref_slice %arg12[%dma_start3A_425, %dma_start3A_426] : memref<64x384xf32, #tpu.memory_space<vmem>> -> memref<64x128xf32, #tpu.memory_space<vmem>>
        %dma_start3A_428 = arith.constant 0 : i32
        %dma_start3A_429 = tpu.memref_slice %arg2[%add3A_424, %dma_start3A_428] : memref<320000x128xf32, #tpu.memory_space<hbm>> -> memref<64x128xf32, #tpu.memory_space<hbm>>
        %dma_start3A_430 = arith.constant 0 : i32
        %dma_start3A_431 = arith.constant 0 : i32
        %dma_start3A_432 = tpu.memref_slice %arg12[%dma_start3A_430, %dma_start3A_431] : memref<64x384xf32, #tpu.memory_space<vmem>> -> memref<64x128xf32, #tpu.memory_space<vmem>>
        %dma_start3A_433 = arith.constant 0 : i32
        %dma_start3A_434 = tpu.memref_slice %arg2[%add3A_424, %dma_start3A_433] : memref<320000x128xf32, #tpu.memory_space<hbm>> -> memref<64x128xf32, #tpu.memory_space<hbm>>
        tpu.enqueue_dma source(%dma_start3A_434 : memref<64x128xf32, #tpu.memory_space<hbm>>) target(%dma_start3A_432 : memref<64x128xf32, #tpu.memory_space<vmem>>) target_semaphore(%arg16 : memref<!tpu.dma_semaphore, #tpu.memory_space<semaphore_mem>>)
        %dma_start3A_435 = arith.constant 0 : i32
        %dma_start3A_436 = arith.constant 128 : i32
        %dma_start3A_437 = tpu.memref_slice %arg12[%dma_start3A_435, %dma_start3A_436] : memref<64x384xf32, #tpu.memory_space<vmem>> -> memref<64x128xf32, #tpu.memory_space<vmem>>
        %dma_start3A_438 = tpu.memref_slice %arg7[%mul3A_423] : memref<10000xi32, #tpu.memory_space<vmem>> -> memref<64xi32, #tpu.memory_space<vmem>>
        %dma_start3A_439 = arith.constant 0 : i32
        %dma_start3A_440 = arith.constant 0 : i32
        %dma_start3A_441 = tpu.memref_slice %arg3[%dma_start3A_439, %dma_start3A_440] : memref<10000x128xf32, #tpu.memory_space<hbm>> -> memref<10000x128xf32, #tpu.memory_space<hbm>>
        tpu.enqueue_indirect_dma source(%dma_start3A_441 : memref<10000x128xf32, #tpu.memory_space<hbm>>) target(%dma_start3A_437 : memref<64x128xf32, #tpu.memory_space<vmem>>) offsets(%dma_start3A_438 : memref<64xi32, #tpu.memory_space<vmem>>) semaphore(%arg16 : memref<!tpu.dma_semaphore, #tpu.memory_space<semaphore_mem>>)
        %dma_start3A_442 = arith.constant 0 : i32
        %dma_start3A_443 = arith.constant 256 : i32
        %dma_start3A_444 = tpu.memref_slice %arg12[%dma_start3A_442, %dma_start3A_443] : memref<64x384xf32, #tpu.memory_space<vmem>> -> memref<64x128xf32, #tpu.memory_space<vmem>>
        %dma_start3A_445 = tpu.memref_slice %arg8[%mul3A_423] : memref<10000xi32, #tpu.memory_space<vmem>> -> memref<64xi32, #tpu.memory_space<vmem>>
        %dma_start3A_446 = arith.constant 0 : i32
        %dma_start3A_447 = arith.constant 0 : i32
        %dma_start3A_448 = tpu.memref_slice %arg3[%dma_start3A_446, %dma_start3A_447] : memref<10000x128xf32, #tpu.memory_space<hbm>> -> memref<10000x128xf32, #tpu.memory_space<hbm>>
        tpu.enqueue_indirect_dma source(%dma_start3A_448 : memref<10000x128xf32, #tpu.memory_space<hbm>>) target(%dma_start3A_444 : memref<64x128xf32, #tpu.memory_space<vmem>>) offsets(%dma_start3A_445 : memref<64xi32, #tpu.memory_space<vmem>>) semaphore(%arg16 : memref<!tpu.dma_semaphore, #tpu.memory_space<semaphore_mem>>)
      } else {
      }
      %mul3A_264 = arith.constant 64 : i32
      %mul3A_265 = arith.muli %add3A_248, %mul3A_264 : i32
      %add3A_266 = arith.addi %mul3A_2, %mul3A_265 : i32
      %dma_wait3A_267 = arith.constant 0 : i32
      %dma_wait3A_268 = arith.constant 0 : i32
      %dma_wait3A_269 = tpu.memref_slice %arg10[%dma_wait3A_267, %dma_wait3A_268] : memref<64x384xf32, #tpu.memory_space<vmem>> -> memref<64x128xf32, #tpu.memory_space<vmem>>
      %dma_wait3A_270 = arith.constant 0 : i32
      %dma_wait3A_271 = tpu.memref_slice %arg2[%add3A_266, %dma_wait3A_270] : memref<320000x128xf32, #tpu.memory_space<hbm>> -> memref<64x128xf32, #tpu.memory_space<hbm>>
      %dma_wait3A_272 = arith.constant 0 : i32
      %dma_wait3A_273 = arith.constant 0 : i32
      %dma_wait3A_274 = tpu.memref_slice %arg10[%dma_wait3A_272, %dma_wait3A_273] : memref<64x384xf32, #tpu.memory_space<vmem>> -> memref<64x128xf32, #tpu.memory_space<vmem>>
      %dma_wait3A_275 = arith.constant 0 : i32
      %dma_wait3A_276 = tpu.memref_slice %arg2[%add3A_266, %dma_wait3A_275] : memref<320000x128xf32, #tpu.memory_space<hbm>> -> memref<64x128xf32, #tpu.memory_space<hbm>>
      tpu.wait_dma2 semaphore(%arg14 : memref<!tpu.dma_semaphore, #tpu.memory_space<semaphore_mem>>) src(%dma_wait3A_276 : memref<64x128xf32, #tpu.memory_space<hbm>>) dst(%dma_wait3A_274 : memref<64x128xf32, #tpu.memory_space<vmem>>)
      %dma_wait3A_277 = arith.constant 0 : i32
      %dma_wait3A_278 = arith.constant 128 : i32
      %dma_wait3A_279 = tpu.memref_slice %arg10[%dma_wait3A_277, %dma_wait3A_278] : memref<64x384xf32, #tpu.memory_space<vmem>> -> memref<64x128xf32, #tpu.memory_space<vmem>>
      %dma_wait3A_280 = tpu.memref_slice %arg7[%mul3A_265] : memref<10000xi32, #tpu.memory_space<vmem>> -> memref<64xi32, #tpu.memory_space<vmem>>
      %dma_wait3A_281 = arith.constant 0 : i32
      %dma_wait3A_282 = arith.constant 0 : i32
      %dma_wait3A_283 = tpu.memref_slice %arg3[%dma_wait3A_281, %dma_wait3A_282] : memref<10000x128xf32, #tpu.memory_space<hbm>> -> memref<10000x128xf32, #tpu.memory_space<hbm>>
      tpu.wait_indirect_dma semaphore(%arg14 : memref<!tpu.dma_semaphore, #tpu.memory_space<semaphore_mem>>) src(%dma_wait3A_283 : memref<10000x128xf32, #tpu.memory_space<hbm>>) dst(%dma_wait3A_279 : memref<64x128xf32, #tpu.memory_space<vmem>>)
      %dma_wait3A_284 = arith.constant 0 : i32
      %dma_wait3A_285 = arith.constant 256 : i32
      %dma_wait3A_286 = tpu.memref_slice %arg10[%dma_wait3A_284, %dma_wait3A_285] : memref<64x384xf32, #tpu.memory_space<vmem>> -> memref<64x128xf32, #tpu.memory_space<vmem>>
      %dma_wait3A_287 = tpu.memref_slice %arg8[%mul3A_265] : memref<10000xi32, #tpu.memory_space<vmem>> -> memref<64xi32, #tpu.memory_space<vmem>>
      %dma_wait3A_288 = arith.constant 0 : i32
      %dma_wait3A_289 = arith.constant 0 : i32
      %dma_wait3A_290 = tpu.memref_slice %arg3[%dma_wait3A_288, %dma_wait3A_289] : memref<10000x128xf32, #tpu.memory_space<hbm>> -> memref<10000x128xf32, #tpu.memory_space<hbm>>
      tpu.wait_indirect_dma semaphore(%arg14 : memref<!tpu.dma_semaphore, #tpu.memory_space<semaphore_mem>>) src(%dma_wait3A_290 : memref<10000x128xf32, #tpu.memory_space<hbm>>) dst(%dma_wait3A_286 : memref<64x128xf32, #tpu.memory_space<vmem>>)
      %mul3A_291 = arith.constant 64 : i32
      %mul3A_292 = arith.muli %add3A_248, %mul3A_291 : i32
      %add3A_293 = arith.addi %mul3A_2, %mul3A_292 : i32
      %dma_start3A_294 = arith.constant 0 : i32
      %dma_start3A_295 = arith.constant 0 : i32
      %dma_start3A_296 = tpu.memref_slice %arg10[%dma_start3A_294, %dma_start3A_295] : memref<64x384xf32, #tpu.memory_space<vmem>> -> memref<64x384xf32, #tpu.memory_space<vmem>>
      %dma_start3A_297 = arith.constant 0 : i32
      %dma_start3A_298 = tpu.memref_slice %arg6[%add3A_293, %dma_start3A_297] : memref<320000x384xf32, #tpu.memory_space<hbm>> -> memref<64x384xf32, #tpu.memory_space<hbm>>
      %dma_start3A_299 = arith.constant 0 : i32
      %dma_start3A_300 = tpu.memref_slice %arg6[%add3A_293, %dma_start3A_299] : memref<320000x384xf32, #tpu.memory_space<hbm>> -> memref<64x384xf32, #tpu.memory_space<hbm>>
      %dma_start3A_301 = arith.constant 0 : i32
      %dma_start3A_302 = arith.constant 0 : i32
      %dma_start3A_303 = tpu.memref_slice %arg10[%dma_start3A_301, %dma_start3A_302] : memref<64x384xf32, #tpu.memory_space<vmem>> -> memref<64x384xf32, #tpu.memory_space<vmem>>
      tpu.enqueue_dma source(%dma_start3A_303 : memref<64x384xf32, #tpu.memory_space<vmem>>) target(%dma_start3A_300 : memref<64x384xf32, #tpu.memory_space<hbm>>) target_semaphore(%arg18 : memref<!tpu.dma_semaphore, #tpu.memory_space<semaphore_mem>>)
      %mul3A_304 = arith.constant 4 : i32
      %mul3A_305 = arith.muli %scan3A_190, %mul3A_304 : i32
      %add3A_306 = arith.constant 2 : i32
      %add3A_307 = arith.addi %mul3A_305, %add3A_306 : i32
      %add3A_308 = arith.constant 2 : i32
      %add3A_309 = arith.addi %add3A_307, %add3A_308 : i32
      %ge3A_310 = arith.constant 4 : i32
      %ge3A_311 = arith.cmpi sge, %add3A_309, %ge3A_310 : i32
      %lt3A_312 = arith.constant 156 : i32
      %lt3A_313 = arith.cmpi slt, %add3A_309, %lt3A_312 : i32
      %and3A_314 = arith.andi %ge3A_311, %lt3A_313 : i1
      %convert_element_type3A_315 = arith.extui %and3A_314 : i1 to i32
      %cond3A_316 = arith.constant 0 : i32
      %cond3A_317 = arith.cmpi ne, %convert_element_type3A_315, %cond3A_316 : i32
      scf.if %cond3A_317 {
        %sub3A = arith.constant 4 : i32
        %sub3A_422 = arith.subi %add3A_309, %sub3A : i32
        %mul3A_423 = arith.constant 64 : i32
        %mul3A_424 = arith.muli %sub3A_422, %mul3A_423 : i32
        %add3A_425 = arith.addi %mul3A_2, %mul3A_424 : i32
        %dma_wait3A_426 = arith.constant 0 : i32
        %dma_wait3A_427 = arith.constant 0 : i32
        %dma_wait3A_428 = tpu.memref_slice %arg9[%dma_wait3A_426, %dma_wait3A_427] : memref<64x384xf32, #tpu.memory_space<vmem>> -> memref<64x384xf32, #tpu.memory_space<vmem>>
        %dma_wait3A_429 = arith.constant 0 : i32
        %dma_wait3A_430 = tpu.memref_slice %arg6[%add3A_425, %dma_wait3A_429] : memref<320000x384xf32, #tpu.memory_space<hbm>> -> memref<64x384xf32, #tpu.memory_space<hbm>>
        %dma_wait3A_431 = arith.constant 0 : i32
        %dma_wait3A_432 = tpu.memref_slice %arg6[%add3A_425, %dma_wait3A_431] : memref<320000x384xf32, #tpu.memory_space<hbm>> -> memref<64x384xf32, #tpu.memory_space<hbm>>
        %dma_wait3A_433 = arith.constant 0 : i32
        %dma_wait3A_434 = arith.constant 0 : i32
        %dma_wait3A_435 = tpu.memref_slice %arg9[%dma_wait3A_433, %dma_wait3A_434] : memref<64x384xf32, #tpu.memory_space<vmem>> -> memref<64x384xf32, #tpu.memory_space<vmem>>
        tpu.wait_dma2 semaphore(%arg17 : memref<!tpu.dma_semaphore, #tpu.memory_space<semaphore_mem>>) src(%dma_wait3A_435 : memref<64x384xf32, #tpu.memory_space<vmem>>) dst(%dma_wait3A_432 : memref<64x384xf32, #tpu.memory_space<hbm>>)
      } else {
      }
      %lt3A_318 = arith.constant 156 : i32
      %lt3A_319 = arith.cmpi slt, %add3A_309, %lt3A_318 : i32
      %convert_element_type3A_320 = arith.extui %lt3A_319 : i1 to i32
      %cond3A_321 = arith.constant 0 : i32
      %cond3A_322 = arith.cmpi ne, %convert_element_type3A_320, %cond3A_321 : i32
      scf.if %cond3A_322 {
        %mul3A_422 = arith.constant 64 : i32
        %mul3A_423 = arith.muli %add3A_309, %mul3A_422 : i32
        %add3A_424 = arith.addi %mul3A_2, %mul3A_423 : i32
        %dma_start3A_425 = arith.constant 0 : i32
        %dma_start3A_426 = arith.constant 0 : i32
        %dma_start3A_427 = tpu.memref_slice %arg9[%dma_start3A_425, %dma_start3A_426] : memref<64x384xf32, #tpu.memory_space<vmem>> -> memref<64x128xf32, #tpu.memory_space<vmem>>
        %dma_start3A_428 = arith.constant 0 : i32
        %dma_start3A_429 = tpu.memref_slice %arg2[%add3A_424, %dma_start3A_428] : memref<320000x128xf32, #tpu.memory_space<hbm>> -> memref<64x128xf32, #tpu.memory_space<hbm>>
        %dma_start3A_430 = arith.constant 0 : i32
        %dma_start3A_431 = arith.constant 0 : i32
        %dma_start3A_432 = tpu.memref_slice %arg9[%dma_start3A_430, %dma_start3A_431] : memref<64x384xf32, #tpu.memory_space<vmem>> -> memref<64x128xf32, #tpu.memory_space<vmem>>
        %dma_start3A_433 = arith.constant 0 : i32
        %dma_start3A_434 = tpu.memref_slice %arg2[%add3A_424, %dma_start3A_433] : memref<320000x128xf32, #tpu.memory_space<hbm>> -> memref<64x128xf32, #tpu.memory_space<hbm>>
        tpu.enqueue_dma source(%dma_start3A_434 : memref<64x128xf32, #tpu.memory_space<hbm>>) target(%dma_start3A_432 : memref<64x128xf32, #tpu.memory_space<vmem>>) target_semaphore(%arg13 : memref<!tpu.dma_semaphore, #tpu.memory_space<semaphore_mem>>)
        %dma_start3A_435 = arith.constant 0 : i32
        %dma_start3A_436 = arith.constant 128 : i32
        %dma_start3A_437 = tpu.memref_slice %arg9[%dma_start3A_435, %dma_start3A_436] : memref<64x384xf32, #tpu.memory_space<vmem>> -> memref<64x128xf32, #tpu.memory_space<vmem>>
        %dma_start3A_438 = tpu.memref_slice %arg7[%mul3A_423] : memref<10000xi32, #tpu.memory_space<vmem>> -> memref<64xi32, #tpu.memory_space<vmem>>
        %dma_start3A_439 = arith.constant 0 : i32
        %dma_start3A_440 = arith.constant 0 : i32
        %dma_start3A_441 = tpu.memref_slice %arg3[%dma_start3A_439, %dma_start3A_440] : memref<10000x128xf32, #tpu.memory_space<hbm>> -> memref<10000x128xf32, #tpu.memory_space<hbm>>
        tpu.enqueue_indirect_dma source(%dma_start3A_441 : memref<10000x128xf32, #tpu.memory_space<hbm>>) target(%dma_start3A_437 : memref<64x128xf32, #tpu.memory_space<vmem>>) offsets(%dma_start3A_438 : memref<64xi32, #tpu.memory_space<vmem>>) semaphore(%arg13 : memref<!tpu.dma_semaphore, #tpu.memory_space<semaphore_mem>>)
        %dma_start3A_442 = arith.constant 0 : i32
        %dma_start3A_443 = arith.constant 256 : i32
        %dma_start3A_444 = tpu.memref_slice %arg9[%dma_start3A_442, %dma_start3A_443] : memref<64x384xf32, #tpu.memory_space<vmem>> -> memref<64x128xf32, #tpu.memory_space<vmem>>
        %dma_start3A_445 = tpu.memref_slice %arg8[%mul3A_423] : memref<10000xi32, #tpu.memory_space<vmem>> -> memref<64xi32, #tpu.memory_space<vmem>>
        %dma_start3A_446 = arith.constant 0 : i32
        %dma_start3A_447 = arith.constant 0 : i32
        %dma_start3A_448 = tpu.memref_slice %arg3[%dma_start3A_446, %dma_start3A_447] : memref<10000x128xf32, #tpu.memory_space<hbm>> -> memref<10000x128xf32, #tpu.memory_space<hbm>>
        tpu.enqueue_indirect_dma source(%dma_start3A_448 : memref<10000x128xf32, #tpu.memory_space<hbm>>) target(%dma_start3A_444 : memref<64x128xf32, #tpu.memory_space<vmem>>) offsets(%dma_start3A_445 : memref<64xi32, #tpu.memory_space<vmem>>) semaphore(%arg13 : memref<!tpu.dma_semaphore, #tpu.memory_space<semaphore_mem>>)
      } else {
      }
      %mul3A_323 = arith.constant 64 : i32
      %mul3A_324 = arith.muli %add3A_307, %mul3A_323 : i32
      %add3A_325 = arith.addi %mul3A_2, %mul3A_324 : i32
      %dma_wait3A_326 = arith.constant 0 : i32
      %dma_wait3A_327 = arith.constant 0 : i32
      %dma_wait3A_328 = tpu.memref_slice %arg11[%dma_wait3A_326, %dma_wait3A_327] : memref<64x384xf32, #tpu.memory_space<vmem>> -> memref<64x128xf32, #tpu.memory_space<vmem>>
      %dma_wait3A_329 = arith.constant 0 : i32
      %dma_wait3A_330 = tpu.memref_slice %arg2[%add3A_325, %dma_wait3A_329] : memref<320000x128xf32, #tpu.memory_space<hbm>> -> memref<64x128xf32, #tpu.memory_space<hbm>>
      %dma_wait3A_331 = arith.constant 0 : i32
      %dma_wait3A_332 = arith.constant 0 : i32
      %dma_wait3A_333 = tpu.memref_slice %arg11[%dma_wait3A_331, %dma_wait3A_332] : memref<64x384xf32, #tpu.memory_space<vmem>> -> memref<64x128xf32, #tpu.memory_space<vmem>>
      %dma_wait3A_334 = arith.constant 0 : i32
      %dma_wait3A_335 = tpu.memref_slice %arg2[%add3A_325, %dma_wait3A_334] : memref<320000x128xf32, #tpu.memory_space<hbm>> -> memref<64x128xf32, #tpu.memory_space<hbm>>
      tpu.wait_dma2 semaphore(%arg15 : memref<!tpu.dma_semaphore, #tpu.memory_space<semaphore_mem>>) src(%dma_wait3A_335 : memref<64x128xf32, #tpu.memory_space<hbm>>) dst(%dma_wait3A_333 : memref<64x128xf32, #tpu.memory_space<vmem>>)
      %dma_wait3A_336 = arith.constant 0 : i32
      %dma_wait3A_337 = arith.constant 128 : i32
      %dma_wait3A_338 = tpu.memref_slice %arg11[%dma_wait3A_336, %dma_wait3A_337] : memref<64x384xf32, #tpu.memory_space<vmem>> -> memref<64x128xf32, #tpu.memory_space<vmem>>
      %dma_wait3A_339 = tpu.memref_slice %arg7[%mul3A_324] : memref<10000xi32, #tpu.memory_space<vmem>> -> memref<64xi32, #tpu.memory_space<vmem>>
      %dma_wait3A_340 = arith.constant 0 : i32
      %dma_wait3A_341 = arith.constant 0 : i32
      %dma_wait3A_342 = tpu.memref_slice %arg3[%dma_wait3A_340, %dma_wait3A_341] : memref<10000x128xf32, #tpu.memory_space<hbm>> -> memref<10000x128xf32, #tpu.memory_space<hbm>>
      tpu.wait_indirect_dma semaphore(%arg15 : memref<!tpu.dma_semaphore, #tpu.memory_space<semaphore_mem>>) src(%dma_wait3A_342 : memref<10000x128xf32, #tpu.memory_space<hbm>>) dst(%dma_wait3A_338 : memref<64x128xf32, #tpu.memory_space<vmem>>)
      %dma_wait3A_343 = arith.constant 0 : i32
      %dma_wait3A_344 = arith.constant 256 : i32
      %dma_wait3A_345 = tpu.memref_slice %arg11[%dma_wait3A_343, %dma_wait3A_344] : memref<64x384xf32, #tpu.memory_space<vmem>> -> memref<64x128xf32, #tpu.memory_space<vmem>>
      %dma_wait3A_346 = tpu.memref_slice %arg8[%mul3A_324] : memref<10000xi32, #tpu.memory_space<vmem>> -> memref<64xi32, #tpu.memory_space<vmem>>
      %dma_wait3A_347 = arith.constant 0 : i32
      %dma_wait3A_348 = arith.constant 0 : i32
      %dma_wait3A_349 = tpu.memref_slice %arg3[%dma_wait3A_347, %dma_wait3A_348] : memref<10000x128xf32, #tpu.memory_space<hbm>> -> memref<10000x128xf32, #tpu.memory_space<hbm>>
      tpu.wait_indirect_dma semaphore(%arg15 : memref<!tpu.dma_semaphore, #tpu.memory_space<semaphore_mem>>) src(%dma_wait3A_349 : memref<10000x128xf32, #tpu.memory_space<hbm>>) dst(%dma_wait3A_345 : memref<64x128xf32, #tpu.memory_space<vmem>>)
      %mul3A_350 = arith.constant 64 : i32
      %mul3A_351 = arith.muli %add3A_307, %mul3A_350 : i32
      %add3A_352 = arith.addi %mul3A_2, %mul3A_351 : i32
      %dma_start3A_353 = arith.constant 0 : i32
      %dma_start3A_354 = arith.constant 0 : i32
      %dma_start3A_355 = tpu.memref_slice %arg11[%dma_start3A_353, %dma_start3A_354] : memref<64x384xf32, #tpu.memory_space<vmem>> -> memref<64x384xf32, #tpu.memory_space<vmem>>
      %dma_start3A_356 = arith.constant 0 : i32
      %dma_start3A_357 = tpu.memref_slice %arg6[%add3A_352, %dma_start3A_356] : memref<320000x384xf32, #tpu.memory_space<hbm>> -> memref<64x384xf32, #tpu.memory_space<hbm>>
      %dma_start3A_358 = arith.constant 0 : i32
      %dma_start3A_359 = tpu.memref_slice %arg6[%add3A_352, %dma_start3A_358] : memref<320000x384xf32, #tpu.memory_space<hbm>> -> memref<64x384xf32, #tpu.memory_space<hbm>>
      %dma_start3A_360 = arith.constant 0 : i32
      %dma_start3A_361 = arith.constant 0 : i32
      %dma_start3A_362 = tpu.memref_slice %arg11[%dma_start3A_360, %dma_start3A_361] : memref<64x384xf32, #tpu.memory_space<vmem>> -> memref<64x384xf32, #tpu.memory_space<vmem>>
      tpu.enqueue_dma source(%dma_start3A_362 : memref<64x384xf32, #tpu.memory_space<vmem>>) target(%dma_start3A_359 : memref<64x384xf32, #tpu.memory_space<hbm>>) target_semaphore(%arg19 : memref<!tpu.dma_semaphore, #tpu.memory_space<semaphore_mem>>)
      %mul3A_363 = arith.constant 4 : i32
      %mul3A_364 = arith.muli %scan3A_190, %mul3A_363 : i32
      %add3A_365 = arith.constant 3 : i32
      %add3A_366 = arith.addi %mul3A_364, %add3A_365 : i32
      %add3A_367 = arith.constant 2 : i32
      %add3A_368 = arith.addi %add3A_366, %add3A_367 : i32
      %ge3A_369 = arith.constant 4 : i32
      %ge3A_370 = arith.cmpi sge, %add3A_368, %ge3A_369 : i32
      %lt3A_371 = arith.constant 156 : i32
      %lt3A_372 = arith.cmpi slt, %add3A_368, %lt3A_371 : i32
      %and3A_373 = arith.andi %ge3A_370, %lt3A_372 : i1
      %convert_element_type3A_374 = arith.extui %and3A_373 : i1 to i32
      %cond3A_375 = arith.constant 0 : i32
      %cond3A_376 = arith.cmpi ne, %convert_element_type3A_374, %cond3A_375 : i32
      scf.if %cond3A_376 {
        %sub3A = arith.constant 4 : i32
        %sub3A_422 = arith.subi %add3A_368, %sub3A : i32
        %mul3A_423 = arith.constant 64 : i32
        %mul3A_424 = arith.muli %sub3A_422, %mul3A_423 : i32
        %add3A_425 = arith.addi %mul3A_2, %mul3A_424 : i32
        %dma_wait3A_426 = arith.constant 0 : i32
        %dma_wait3A_427 = arith.constant 0 : i32
        %dma_wait3A_428 = tpu.memref_slice %arg10[%dma_wait3A_426, %dma_wait3A_427] : memref<64x384xf32, #tpu.memory_space<vmem>> -> memref<64x384xf32, #tpu.memory_space<vmem>>
        %dma_wait3A_429 = arith.constant 0 : i32
        %dma_wait3A_430 = tpu.memref_slice %arg6[%add3A_425, %dma_wait3A_429] : memref<320000x384xf32, #tpu.memory_space<hbm>> -> memref<64x384xf32, #tpu.memory_space<hbm>>
        %dma_wait3A_431 = arith.constant 0 : i32
        %dma_wait3A_432 = tpu.memref_slice %arg6[%add3A_425, %dma_wait3A_431] : memref<320000x384xf32, #tpu.memory_space<hbm>> -> memref<64x384xf32, #tpu.memory_space<hbm>>
        %dma_wait3A_433 = arith.constant 0 : i32
        %dma_wait3A_434 = arith.constant 0 : i32
        %dma_wait3A_435 = tpu.memref_slice %arg10[%dma_wait3A_433, %dma_wait3A_434] : memref<64x384xf32, #tpu.memory_space<vmem>> -> memref<64x384xf32, #tpu.memory_space<vmem>>
        tpu.wait_dma2 semaphore(%arg18 : memref<!tpu.dma_semaphore, #tpu.memory_space<semaphore_mem>>) src(%dma_wait3A_435 : memref<64x384xf32, #tpu.memory_space<vmem>>) dst(%dma_wait3A_432 : memref<64x384xf32, #tpu.memory_space<hbm>>)
      } else {
      }
      %lt3A_377 = arith.constant 156 : i32
      %lt3A_378 = arith.cmpi slt, %add3A_368, %lt3A_377 : i32
      %convert_element_type3A_379 = arith.extui %lt3A_378 : i1 to i32
      %cond3A_380 = arith.constant 0 : i32
      %cond3A_381 = arith.cmpi ne, %convert_element_type3A_379, %cond3A_380 : i32
      scf.if %cond3A_381 {
        %mul3A_422 = arith.constant 64 : i32
        %mul3A_423 = arith.muli %add3A_368, %mul3A_422 : i32
        %add3A_424 = arith.addi %mul3A_2, %mul3A_423 : i32
        %dma_start3A_425 = arith.constant 0 : i32
        %dma_start3A_426 = arith.constant 0 : i32
        %dma_start3A_427 = tpu.memref_slice %arg10[%dma_start3A_425, %dma_start3A_426] : memref<64x384xf32, #tpu.memory_space<vmem>> -> memref<64x128xf32, #tpu.memory_space<vmem>>
        %dma_start3A_428 = arith.constant 0 : i32
        %dma_start3A_429 = tpu.memref_slice %arg2[%add3A_424, %dma_start3A_428] : memref<320000x128xf32, #tpu.memory_space<hbm>> -> memref<64x128xf32, #tpu.memory_space<hbm>>
        %dma_start3A_430 = arith.constant 0 : i32
        %dma_start3A_431 = arith.constant 0 : i32
        %dma_start3A_432 = tpu.memref_slice %arg10[%dma_start3A_430, %dma_start3A_431] : memref<64x384xf32, #tpu.memory_space<vmem>> -> memref<64x128xf32, #tpu.memory_space<vmem>>
        %dma_start3A_433 = arith.constant 0 : i32
        %dma_start3A_434 = tpu.memref_slice %arg2[%add3A_424, %dma_start3A_433] : memref<320000x128xf32, #tpu.memory_space<hbm>> -> memref<64x128xf32, #tpu.memory_space<hbm>>
        tpu.enqueue_dma source(%dma_start3A_434 : memref<64x128xf32, #tpu.memory_space<hbm>>) target(%dma_start3A_432 : memref<64x128xf32, #tpu.memory_space<vmem>>) target_semaphore(%arg14 : memref<!tpu.dma_semaphore, #tpu.memory_space<semaphore_mem>>)
        %dma_start3A_435 = arith.constant 0 : i32
        %dma_start3A_436 = arith.constant 128 : i32
        %dma_start3A_437 = tpu.memref_slice %arg10[%dma_start3A_435, %dma_start3A_436] : memref<64x384xf32, #tpu.memory_space<vmem>> -> memref<64x128xf32, #tpu.memory_space<vmem>>
        %dma_start3A_438 = tpu.memref_slice %arg7[%mul3A_423] : memref<10000xi32, #tpu.memory_space<vmem>> -> memref<64xi32, #tpu.memory_space<vmem>>
        %dma_start3A_439 = arith.constant 0 : i32
        %dma_start3A_440 = arith.constant 0 : i32
        %dma_start3A_441 = tpu.memref_slice %arg3[%dma_start3A_439, %dma_start3A_440] : memref<10000x128xf32, #tpu.memory_space<hbm>> -> memref<10000x128xf32, #tpu.memory_space<hbm>>
        tpu.enqueue_indirect_dma source(%dma_start3A_441 : memref<10000x128xf32, #tpu.memory_space<hbm>>) target(%dma_start3A_437 : memref<64x128xf32, #tpu.memory_space<vmem>>) offsets(%dma_start3A_438 : memref<64xi32, #tpu.memory_space<vmem>>) semaphore(%arg14 : memref<!tpu.dma_semaphore, #tpu.memory_space<semaphore_mem>>)
        %dma_start3A_442 = arith.constant 0 : i32
        %dma_start3A_443 = arith.constant 256 : i32
        %dma_start3A_444 = tpu.memref_slice %arg10[%dma_start3A_442, %dma_start3A_443] : memref<64x384xf32, #tpu.memory_space<vmem>> -> memref<64x128xf32, #tpu.memory_space<vmem>>
        %dma_start3A_445 = tpu.memref_slice %arg8[%mul3A_423] : memref<10000xi32, #tpu.memory_space<vmem>> -> memref<64xi32, #tpu.memory_space<vmem>>
        %dma_start3A_446 = arith.constant 0 : i32
        %dma_start3A_447 = arith.constant 0 : i32
        %dma_start3A_448 = tpu.memref_slice %arg3[%dma_start3A_446, %dma_start3A_447] : memref<10000x128xf32, #tpu.memory_space<hbm>> -> memref<10000x128xf32, #tpu.memory_space<hbm>>
        tpu.enqueue_indirect_dma source(%dma_start3A_448 : memref<10000x128xf32, #tpu.memory_space<hbm>>) target(%dma_start3A_444 : memref<64x128xf32, #tpu.memory_space<vmem>>) offsets(%dma_start3A_445 : memref<64xi32, #tpu.memory_space<vmem>>) semaphore(%arg14 : memref<!tpu.dma_semaphore, #tpu.memory_space<semaphore_mem>>)
      } else {
      }
      %mul3A_382 = arith.constant 64 : i32
      %mul3A_383 = arith.muli %add3A_366, %mul3A_382 : i32
      %add3A_384 = arith.addi %mul3A_2, %mul3A_383 : i32
      %dma_wait3A_385 = arith.constant 0 : i32
      %dma_wait3A_386 = arith.constant 0 : i32
      %dma_wait3A_387 = tpu.memref_slice %arg12[%dma_wait3A_385, %dma_wait3A_386] : memref<64x384xf32, #tpu.memory_space<vmem>> -> memref<64x128xf32, #tpu.memory_space<vmem>>
      %dma_wait3A_388 = arith.constant 0 : i32
      %dma_wait3A_389 = tpu.memref_slice %arg2[%add3A_384, %dma_wait3A_388] : memref<320000x128xf32, #tpu.memory_space<hbm>> -> memref<64x128xf32, #tpu.memory_space<hbm>>
      %dma_wait3A_390 = arith.constant 0 : i32
      %dma_wait3A_391 = arith.constant 0 : i32
      %dma_wait3A_392 = tpu.memref_slice %arg12[%dma_wait3A_390, %dma_wait3A_391] : memref<64x384xf32, #tpu.memory_space<vmem>> -> memref<64x128xf32, #tpu.memory_space<vmem>>
      %dma_wait3A_393 = arith.constant 0 : i32
      %dma_wait3A_394 = tpu.memref_slice %arg2[%add3A_384, %dma_wait3A_393] : memref<320000x128xf32, #tpu.memory_space<hbm>> -> memref<64x128xf32, #tpu.memory_space<hbm>>
      tpu.wait_dma2 semaphore(%arg16 : memref<!tpu.dma_semaphore, #tpu.memory_space<semaphore_mem>>) src(%dma_wait3A_394 : memref<64x128xf32, #tpu.memory_space<hbm>>) dst(%dma_wait3A_392 : memref<64x128xf32, #tpu.memory_space<vmem>>)
      %dma_wait3A_395 = arith.constant 0 : i32
      %dma_wait3A_396 = arith.constant 128 : i32
      %dma_wait3A_397 = tpu.memref_slice %arg12[%dma_wait3A_395, %dma_wait3A_396] : memref<64x384xf32, #tpu.memory_space<vmem>> -> memref<64x128xf32, #tpu.memory_space<vmem>>
      %dma_wait3A_398 = tpu.memref_slice %arg7[%mul3A_383] : memref<10000xi32, #tpu.memory_space<vmem>> -> memref<64xi32, #tpu.memory_space<vmem>>
      %dma_wait3A_399 = arith.constant 0 : i32
      %dma_wait3A_400 = arith.constant 0 : i32
      %dma_wait3A_401 = tpu.memref_slice %arg3[%dma_wait3A_399, %dma_wait3A_400] : memref<10000x128xf32, #tpu.memory_space<hbm>> -> memref<10000x128xf32, #tpu.memory_space<hbm>>
      tpu.wait_indirect_dma semaphore(%arg16 : memref<!tpu.dma_semaphore, #tpu.memory_space<semaphore_mem>>) src(%dma_wait3A_401 : memref<10000x128xf32, #tpu.memory_space<hbm>>) dst(%dma_wait3A_397 : memref<64x128xf32, #tpu.memory_space<vmem>>)
      %dma_wait3A_402 = arith.constant 0 : i32
      %dma_wait3A_403 = arith.constant 256 : i32
      %dma_wait3A_404 = tpu.memref_slice %arg12[%dma_wait3A_402, %dma_wait3A_403] : memref<64x384xf32, #tpu.memory_space<vmem>> -> memref<64x128xf32, #tpu.memory_space<vmem>>
      %dma_wait3A_405 = tpu.memref_slice %arg8[%mul3A_383] : memref<10000xi32, #tpu.memory_space<vmem>> -> memref<64xi32, #tpu.memory_space<vmem>>
      %dma_wait3A_406 = arith.constant 0 : i32
      %dma_wait3A_407 = arith.constant 0 : i32
      %dma_wait3A_408 = tpu.memref_slice %arg3[%dma_wait3A_406, %dma_wait3A_407] : memref<10000x128xf32, #tpu.memory_space<hbm>> -> memref<10000x128xf32, #tpu.memory_space<hbm>>
      tpu.wait_indirect_dma semaphore(%arg16 : memref<!tpu.dma_semaphore, #tpu.memory_space<semaphore_mem>>) src(%dma_wait3A_408 : memref<10000x128xf32, #tpu.memory_space<hbm>>) dst(%dma_wait3A_404 : memref<64x128xf32, #tpu.memory_space<vmem>>)
      %mul3A_409 = arith.constant 64 : i32
      %mul3A_410 = arith.muli %add3A_366, %mul3A_409 : i32
      %add3A_411 = arith.addi %mul3A_2, %mul3A_410 : i32
      %dma_start3A_412 = arith.constant 0 : i32
      %dma_start3A_413 = arith.constant 0 : i32
      %dma_start3A_414 = tpu.memref_slice %arg12[%dma_start3A_412, %dma_start3A_413] : memref<64x384xf32, #tpu.memory_space<vmem>> -> memref<64x384xf32, #tpu.memory_space<vmem>>
      %dma_start3A_415 = arith.constant 0 : i32
      %dma_start3A_416 = tpu.memref_slice %arg6[%add3A_411, %dma_start3A_415] : memref<320000x384xf32, #tpu.memory_space<hbm>> -> memref<64x384xf32, #tpu.memory_space<hbm>>
      %dma_start3A_417 = arith.constant 0 : i32
      %dma_start3A_418 = tpu.memref_slice %arg6[%add3A_411, %dma_start3A_417] : memref<320000x384xf32, #tpu.memory_space<hbm>> -> memref<64x384xf32, #tpu.memory_space<hbm>>
      %dma_start3A_419 = arith.constant 0 : i32
      %dma_start3A_420 = arith.constant 0 : i32
      %dma_start3A_421 = tpu.memref_slice %arg12[%dma_start3A_419, %dma_start3A_420] : memref<64x384xf32, #tpu.memory_space<vmem>> -> memref<64x384xf32, #tpu.memory_space<vmem>>
      tpu.enqueue_dma source(%dma_start3A_421 : memref<64x384xf32, #tpu.memory_space<vmem>>) target(%dma_start3A_418 : memref<64x384xf32, #tpu.memory_space<hbm>>) target_semaphore(%arg20 : memref<!tpu.dma_semaphore, #tpu.memory_space<semaphore_mem>>)
    }
    %scan3A_62 = arith.constant 39 : i32
    %add3A_63 = arith.constant 9728 : i32
    %add3A_64 = arith.addi %mul3A_2, %add3A_63 : i32
    %dma_wait3A = arith.constant 0 : i32
    %dma_wait3A_65 = arith.constant 0 : i32
    %dma_wait3A_66 = tpu.memref_slice %arg9[%dma_wait3A, %dma_wait3A_65] : memref<64x384xf32, #tpu.memory_space<vmem>> -> memref<64x384xf32, #tpu.memory_space<vmem>>
    %dma_wait3A_67 = arith.constant 0 : i32
    %dma_wait3A_68 = tpu.memref_slice %arg6[%add3A_64, %dma_wait3A_67] : memref<320000x384xf32, #tpu.memory_space<hbm>> -> memref<64x384xf32, #tpu.memory_space<hbm>>
    %dma_wait3A_69 = arith.constant 0 : i32
    %dma_wait3A_70 = tpu.memref_slice %arg6[%add3A_64, %dma_wait3A_69] : memref<320000x384xf32, #tpu.memory_space<hbm>> -> memref<64x384xf32, #tpu.memory_space<hbm>>
    %dma_wait3A_71 = arith.constant 0 : i32
    %dma_wait3A_72 = arith.constant 0 : i32
    %dma_wait3A_73 = tpu.memref_slice %arg9[%dma_wait3A_71, %dma_wait3A_72] : memref<64x384xf32, #tpu.memory_space<vmem>> -> memref<64x384xf32, #tpu.memory_space<vmem>>
    tpu.wait_dma2 semaphore(%arg17 : memref<!tpu.dma_semaphore, #tpu.memory_space<semaphore_mem>>) src(%dma_wait3A_73 : memref<64x384xf32, #tpu.memory_space<vmem>>) dst(%dma_wait3A_70 : memref<64x384xf32, #tpu.memory_space<hbm>>)
    %add3A_74 = arith.constant 9792 : i32
    %add3A_75 = arith.addi %mul3A_2, %add3A_74 : i32
    %dma_wait3A_76 = arith.constant 0 : i32
    %dma_wait3A_77 = arith.constant 0 : i32
    %dma_wait3A_78 = tpu.memref_slice %arg10[%dma_wait3A_76, %dma_wait3A_77] : memref<64x384xf32, #tpu.memory_space<vmem>> -> memref<64x384xf32, #tpu.memory_space<vmem>>
    %dma_wait3A_79 = arith.constant 0 : i32
    %dma_wait3A_80 = tpu.memref_slice %arg6[%add3A_75, %dma_wait3A_79] : memref<320000x384xf32, #tpu.memory_space<hbm>> -> memref<64x384xf32, #tpu.memory_space<hbm>>
    %dma_wait3A_81 = arith.constant 0 : i32
    %dma_wait3A_82 = tpu.memref_slice %arg6[%add3A_75, %dma_wait3A_81] : memref<320000x384xf32, #tpu.memory_space<hbm>> -> memref<64x384xf32, #tpu.memory_space<hbm>>
    %dma_wait3A_83 = arith.constant 0 : i32
    %dma_wait3A_84 = arith.constant 0 : i32
    %dma_wait3A_85 = tpu.memref_slice %arg10[%dma_wait3A_83, %dma_wait3A_84] : memref<64x384xf32, #tpu.memory_space<vmem>> -> memref<64x384xf32, #tpu.memory_space<vmem>>
    tpu.wait_dma2 semaphore(%arg18 : memref<!tpu.dma_semaphore, #tpu.memory_space<semaphore_mem>>) src(%dma_wait3A_85 : memref<64x384xf32, #tpu.memory_space<vmem>>) dst(%dma_wait3A_82 : memref<64x384xf32, #tpu.memory_space<hbm>>)
    %add3A_86 = arith.constant 9856 : i32
    %add3A_87 = arith.addi %mul3A_2, %add3A_86 : i32
    %dma_wait3A_88 = arith.constant 0 : i32
    %dma_wait3A_89 = arith.constant 0 : i32
    %dma_wait3A_90 = tpu.memref_slice %arg11[%dma_wait3A_88, %dma_wait3A_89] : memref<64x384xf32, #tpu.memory_space<vmem>> -> memref<64x384xf32, #tpu.memory_space<vmem>>
    %dma_wait3A_91 = arith.constant 0 : i32
    %dma_wait3A_92 = tpu.memref_slice %arg6[%add3A_87, %dma_wait3A_91] : memref<320000x384xf32, #tpu.memory_space<hbm>> -> memref<64x384xf32, #tpu.memory_space<hbm>>
    %dma_wait3A_93 = arith.constant 0 : i32
    %dma_wait3A_94 = tpu.memref_slice %arg6[%add3A_87, %dma_wait3A_93] : memref<320000x384xf32, #tpu.memory_space<hbm>> -> memref<64x384xf32, #tpu.memory_space<hbm>>
    %dma_wait3A_95 = arith.constant 0 : i32
    %dma_wait3A_96 = arith.constant 0 : i32
    %dma_wait3A_97 = tpu.memref_slice %arg11[%dma_wait3A_95, %dma_wait3A_96] : memref<64x384xf32, #tpu.memory_space<vmem>> -> memref<64x384xf32, #tpu.memory_space<vmem>>
    tpu.wait_dma2 semaphore(%arg19 : memref<!tpu.dma_semaphore, #tpu.memory_space<semaphore_mem>>) src(%dma_wait3A_97 : memref<64x384xf32, #tpu.memory_space<vmem>>) dst(%dma_wait3A_94 : memref<64x384xf32, #tpu.memory_space<hbm>>)
    %add3A_98 = arith.constant 9920 : i32
    %add3A_99 = arith.addi %mul3A_2, %add3A_98 : i32
    %dma_wait3A_100 = arith.constant 0 : i32
    %dma_wait3A_101 = arith.constant 0 : i32
    %dma_wait3A_102 = tpu.memref_slice %arg12[%dma_wait3A_100, %dma_wait3A_101] : memref<64x384xf32, #tpu.memory_space<vmem>> -> memref<64x384xf32, #tpu.memory_space<vmem>>
    %dma_wait3A_103 = arith.constant 0 : i32
    %dma_wait3A_104 = tpu.memref_slice %arg6[%add3A_99, %dma_wait3A_103] : memref<320000x384xf32, #tpu.memory_space<hbm>> -> memref<64x384xf32, #tpu.memory_space<hbm>>
    %dma_wait3A_105 = arith.constant 0 : i32
    %dma_wait3A_106 = tpu.memref_slice %arg6[%add3A_99, %dma_wait3A_105] : memref<320000x384xf32, #tpu.memory_space<hbm>> -> memref<64x384xf32, #tpu.memory_space<hbm>>
    %dma_wait3A_107 = arith.constant 0 : i32
    %dma_wait3A_108 = arith.constant 0 : i32
    %dma_wait3A_109 = tpu.memref_slice %arg12[%dma_wait3A_107, %dma_wait3A_108] : memref<64x384xf32, #tpu.memory_space<vmem>> -> memref<64x384xf32, #tpu.memory_space<vmem>>
    tpu.wait_dma2 semaphore(%arg20 : memref<!tpu.dma_semaphore, #tpu.memory_space<semaphore_mem>>) src(%dma_wait3A_109 : memref<64x384xf32, #tpu.memory_space<vmem>>) dst(%dma_wait3A_106 : memref<64x384xf32, #tpu.memory_space<hbm>>)
    %add3A_110 = arith.constant 9984 : i32
    %add3A_111 = arith.addi %mul3A_2, %add3A_110 : i32
    %dma_start3A_112 = arith.constant 0 : i32
    %dma_start3A_113 = arith.constant 0 : i32
    %dma_start3A_114 = tpu.memref_slice %arg9[%dma_start3A_112, %dma_start3A_113] : memref<64x384xf32, #tpu.memory_space<vmem>> -> memref<16x128xf32, #tpu.memory_space<vmem>>
    %dma_start3A_115 = arith.constant 0 : i32
    %dma_start3A_116 = tpu.memref_slice %arg2[%add3A_111, %dma_start3A_115] : memref<320000x128xf32, #tpu.memory_space<hbm>> -> memref<16x128xf32, #tpu.memory_space<hbm>>
    %dma_start3A_117 = arith.constant 0 : i32
    %dma_start3A_118 = arith.constant 0 : i32
    %dma_start3A_119 = tpu.memref_slice %arg9[%dma_start3A_117, %dma_start3A_118] : memref<64x384xf32, #tpu.memory_space<vmem>> -> memref<16x128xf32, #tpu.memory_space<vmem>>
    %dma_start3A_120 = arith.constant 0 : i32
    %dma_start3A_121 = tpu.memref_slice %arg2[%add3A_111, %dma_start3A_120] : memref<320000x128xf32, #tpu.memory_space<hbm>> -> memref<16x128xf32, #tpu.memory_space<hbm>>
    tpu.enqueue_dma source(%dma_start3A_121 : memref<16x128xf32, #tpu.memory_space<hbm>>) target(%dma_start3A_119 : memref<16x128xf32, #tpu.memory_space<vmem>>) target_semaphore(%arg13 : memref<!tpu.dma_semaphore, #tpu.memory_space<semaphore_mem>>)
    %dma_start3A_122 = arith.constant 0 : i32
    %dma_start3A_123 = arith.constant 128 : i32
    %dma_start3A_124 = tpu.memref_slice %arg9[%dma_start3A_122, %dma_start3A_123] : memref<64x384xf32, #tpu.memory_space<vmem>> -> memref<16x128xf32, #tpu.memory_space<vmem>>
    %dma_start3A_125 = arith.constant 9984 : i32
    %dma_start3A_126 = tpu.memref_slice %arg7[%dma_start3A_125] : memref<10000xi32, #tpu.memory_space<vmem>> -> memref<16xi32, #tpu.memory_space<vmem>>
    %dma_start3A_127 = arith.constant 0 : i32
    %dma_start3A_128 = arith.constant 0 : i32
    %dma_start3A_129 = tpu.memref_slice %arg3[%dma_start3A_127, %dma_start3A_128] : memref<10000x128xf32, #tpu.memory_space<hbm>> -> memref<10000x128xf32, #tpu.memory_space<hbm>>
    tpu.enqueue_indirect_dma source(%dma_start3A_129 : memref<10000x128xf32, #tpu.memory_space<hbm>>) target(%dma_start3A_124 : memref<16x128xf32, #tpu.memory_space<vmem>>) offsets(%dma_start3A_126 : memref<16xi32, #tpu.memory_space<vmem>>) semaphore(%arg13 : memref<!tpu.dma_semaphore, #tpu.memory_space<semaphore_mem>>)
    %dma_start3A_130 = arith.constant 0 : i32
    %dma_start3A_131 = arith.constant 256 : i32
    %dma_start3A_132 = tpu.memref_slice %arg9[%dma_start3A_130, %dma_start3A_131] : memref<64x384xf32, #tpu.memory_space<vmem>> -> memref<16x128xf32, #tpu.memory_space<vmem>>
    %dma_start3A_133 = arith.constant 9984 : i32
    %dma_start3A_134 = tpu.memref_slice %arg8[%dma_start3A_133] : memref<10000xi32, #tpu.memory_space<vmem>> -> memref<16xi32, #tpu.memory_space<vmem>>
    %dma_start3A_135 = arith.constant 0 : i32
    %dma_start3A_136 = arith.constant 0 : i32
    %dma_start3A_137 = tpu.memref_slice %arg3[%dma_start3A_135, %dma_start3A_136] : memref<10000x128xf32, #tpu.memory_space<hbm>> -> memref<10000x128xf32, #tpu.memory_space<hbm>>
    tpu.enqueue_indirect_dma source(%dma_start3A_137 : memref<10000x128xf32, #tpu.memory_space<hbm>>) target(%dma_start3A_132 : memref<16x128xf32, #tpu.memory_space<vmem>>) offsets(%dma_start3A_134 : memref<16xi32, #tpu.memory_space<vmem>>) semaphore(%arg13 : memref<!tpu.dma_semaphore, #tpu.memory_space<semaphore_mem>>)
    %add3A_138 = arith.constant 9984 : i32
    %add3A_139 = arith.addi %mul3A_2, %add3A_138 : i32
    %dma_wait3A_140 = arith.constant 0 : i32
    %dma_wait3A_141 = arith.constant 0 : i32
    %dma_wait3A_142 = tpu.memref_slice %arg9[%dma_wait3A_140, %dma_wait3A_141] : memref<64x384xf32, #tpu.memory_space<vmem>> -> memref<16x128xf32, #tpu.memory_space<vmem>>
    %dma_wait3A_143 = arith.constant 0 : i32
    %dma_wait3A_144 = tpu.memref_slice %arg2[%add3A_139, %dma_wait3A_143] : memref<320000x128xf32, #tpu.memory_space<hbm>> -> memref<16x128xf32, #tpu.memory_space<hbm>>
    %dma_wait3A_145 = arith.constant 0 : i32
    %dma_wait3A_146 = arith.constant 0 : i32
    %dma_wait3A_147 = tpu.memref_slice %arg9[%dma_wait3A_145, %dma_wait3A_146] : memref<64x384xf32, #tpu.memory_space<vmem>> -> memref<16x128xf32, #tpu.memory_space<vmem>>
    %dma_wait3A_148 = arith.constant 0 : i32
    %dma_wait3A_149 = tpu.memref_slice %arg2[%add3A_139, %dma_wait3A_148] : memref<320000x128xf32, #tpu.memory_space<hbm>> -> memref<16x128xf32, #tpu.memory_space<hbm>>
    tpu.wait_dma2 semaphore(%arg13 : memref<!tpu.dma_semaphore, #tpu.memory_space<semaphore_mem>>) src(%dma_wait3A_149 : memref<16x128xf32, #tpu.memory_space<hbm>>) dst(%dma_wait3A_147 : memref<16x128xf32, #tpu.memory_space<vmem>>)
    %dma_wait3A_150 = arith.constant 0 : i32
    %dma_wait3A_151 = arith.constant 128 : i32
    %dma_wait3A_152 = tpu.memref_slice %arg9[%dma_wait3A_150, %dma_wait3A_151] : memref<64x384xf32, #tpu.memory_space<vmem>> -> memref<16x128xf32, #tpu.memory_space<vmem>>
    %dma_wait3A_153 = arith.constant 9984 : i32
    %dma_wait3A_154 = tpu.memref_slice %arg7[%dma_wait3A_153] : memref<10000xi32, #tpu.memory_space<vmem>> -> memref<16xi32, #tpu.memory_space<vmem>>
    %dma_wait3A_155 = arith.constant 0 : i32
    %dma_wait3A_156 = arith.constant 0 : i32
    %dma_wait3A_157 = tpu.memref_slice %arg3[%dma_wait3A_155, %dma_wait3A_156] : memref<10000x128xf32, #tpu.memory_space<hbm>> -> memref<10000x128xf32, #tpu.memory_space<hbm>>
    tpu.wait_indirect_dma semaphore(%arg13 : memref<!tpu.dma_semaphore, #tpu.memory_space<semaphore_mem>>) src(%dma_wait3A_157 : memref<10000x128xf32, #tpu.memory_space<hbm>>) dst(%dma_wait3A_152 : memref<16x128xf32, #tpu.memory_space<vmem>>)
    %dma_wait3A_158 = arith.constant 0 : i32
    %dma_wait3A_159 = arith.constant 256 : i32
    %dma_wait3A_160 = tpu.memref_slice %arg9[%dma_wait3A_158, %dma_wait3A_159] : memref<64x384xf32, #tpu.memory_space<vmem>> -> memref<16x128xf32, #tpu.memory_space<vmem>>
    %dma_wait3A_161 = arith.constant 9984 : i32
    %dma_wait3A_162 = tpu.memref_slice %arg8[%dma_wait3A_161] : memref<10000xi32, #tpu.memory_space<vmem>> -> memref<16xi32, #tpu.memory_space<vmem>>
    %dma_wait3A_163 = arith.constant 0 : i32
    %dma_wait3A_164 = arith.constant 0 : i32
    %dma_wait3A_165 = tpu.memref_slice %arg3[%dma_wait3A_163, %dma_wait3A_164] : memref<10000x128xf32, #tpu.memory_space<hbm>> -> memref<10000x128xf32, #tpu.memory_space<hbm>>
    tpu.wait_indirect_dma semaphore(%arg13 : memref<!tpu.dma_semaphore, #tpu.memory_space<semaphore_mem>>) src(%dma_wait3A_165 : memref<10000x128xf32, #tpu.memory_space<hbm>>) dst(%dma_wait3A_160 : memref<16x128xf32, #tpu.memory_space<vmem>>)
    %add3A_166 = arith.constant 9984 : i32
    %add3A_167 = arith.addi %mul3A_2, %add3A_166 : i32
    %dma_start3A_168 = arith.constant 0 : i32
    %dma_start3A_169 = arith.constant 0 : i32
    %dma_start3A_170 = tpu.memref_slice %arg9[%dma_start3A_168, %dma_start3A_169] : memref<64x384xf32, #tpu.memory_space<vmem>> -> memref<16x384xf32, #tpu.memory_space<vmem>>
    %dma_start3A_171 = arith.constant 0 : i32
    %dma_start3A_172 = tpu.memref_slice %arg6[%add3A_167, %dma_start3A_171] : memref<320000x384xf32, #tpu.memory_space<hbm>> -> memref<16x384xf32, #tpu.memory_space<hbm>>
    %dma_start3A_173 = arith.constant 0 : i32
    %dma_start3A_174 = tpu.memref_slice %arg6[%add3A_167, %dma_start3A_173] : memref<320000x384xf32, #tpu.memory_space<hbm>> -> memref<16x384xf32, #tpu.memory_space<hbm>>
    %dma_start3A_175 = arith.constant 0 : i32
    %dma_start3A_176 = arith.constant 0 : i32
    %dma_start3A_177 = tpu.memref_slice %arg9[%dma_start3A_175, %dma_start3A_176] : memref<64x384xf32, #tpu.memory_space<vmem>> -> memref<16x384xf32, #tpu.memory_space<vmem>>
    tpu.enqueue_dma source(%dma_start3A_177 : memref<16x384xf32, #tpu.memory_space<vmem>>) target(%dma_start3A_174 : memref<16x384xf32, #tpu.memory_space<hbm>>) target_semaphore(%arg17 : memref<!tpu.dma_semaphore, #tpu.memory_space<semaphore_mem>>)
    %add3A_178 = arith.constant 9984 : i32
    %add3A_179 = arith.addi %mul3A_2, %add3A_178 : i32
    %dma_wait3A_180 = arith.constant 0 : i32
    %dma_wait3A_181 = arith.constant 0 : i32
    %dma_wait3A_182 = tpu.memref_slice %arg9[%dma_wait3A_180, %dma_wait3A_181] : memref<64x384xf32, #tpu.memory_space<vmem>> -> memref<16x384xf32, #tpu.memory_space<vmem>>
    %dma_wait3A_183 = arith.constant 0 : i32
    %dma_wait3A_184 = tpu.memref_slice %arg6[%add3A_179, %dma_wait3A_183] : memref<320000x384xf32, #tpu.memory_space<hbm>> -> memref<16x384xf32, #tpu.memory_space<hbm>>
    %dma_wait3A_185 = arith.constant 0 : i32
    %dma_wait3A_186 = tpu.memref_slice %arg6[%add3A_179, %dma_wait3A_185] : memref<320000x384xf32, #tpu.memory_space<hbm>> -> memref<16x384xf32, #tpu.memory_space<hbm>>
    %dma_wait3A_187 = arith.constant 0 : i32
    %dma_wait3A_188 = arith.constant 0 : i32
    %dma_wait3A_189 = tpu.memref_slice %arg9[%dma_wait3A_187, %dma_wait3A_188] : memref<64x384xf32, #tpu.memory_space<vmem>> -> memref<16x384xf32, #tpu.memory_space<vmem>>
    tpu.wait_dma2 semaphore(%arg17 : memref<!tpu.dma_semaphore, #tpu.memory_space<semaphore_mem>>) src(%dma_wait3A_189 : memref<16x384xf32, #tpu.memory_space<vmem>>) dst(%dma_wait3A_186 : memref<16x384xf32, #tpu.memory_space<hbm>>)
    return
  }
}

</mosaic_0001>

<sc_bundles>
// kernel: kernel.3.cloned.1.call-start
scs
__scs_entry_jumppad:
0x0: {  	(pc) =	sbr.rel $0x88, $3  }
0x1: {  	(tag) =	ssettag $0x0;
	lr =	simm.s32 $0x1  }
0x2: {  	[smem:$0x3F9E] =	sst lr;
	_ =	strace $0xD0000000  }
0x3: {  	_ = 	snop  }
0x4: {  	_ = 	snop  }
0x5: {  	_ = 	snop  }
0x6: {  	_ = 	snop  }
0x7: {  	_ = 	snop  }
__scs_overlays_trampoline_lowered:
0x8: {  	[smem:$0x3FAD] =	sst s0  }
0x9: {  	[smem:$0x3FAE] =	sst s1  }
0xa: {  	[smem:$0x3FAF] =	sst s2  }
0xb: {  	[smem:$0x3FB0] =	sst s3  }
0xc: {  	[smem:$0x3FB1] =	sst s4  }
0xd: {  	[smem:$0x3FB2] =	sst s5  }
0xe: {  	[smem:$0x3FB3] =	sst s6  }
0xf: {  	[smem:$0x3FB4] =	sst s7  }
0x10: {  	[smem:$0x3FB5] =	sst s8  }
0x11: {  	[smem:$0x3FB6] =	sst s9;
	s0 =	simm.s32 @!p0 $0x0  }
0x12: {  	s1 =	sld [smem:$0x3F9C];
	s0 =	simm.s32 @p0 $0x1  }
0x13: {  	[smem:$0x3FB7] =	sst s0;
	s0 =	simm.s32 @!p1 $0x0  }
0x14: {  	s2 =	sld [smem:$0x3F9B];
	s0 =	simm.s32 @p1 $0x1  }
0x15: {  	[smem:$0x3FB8] =	sst s0;
	s0 =	simm.s32 @!p2 $0x0  }
0x16: {  	s3 =	sld [smem:$0x3FDB];
	s0 =	simm.s32 @p2 $0x1  }
0x17: {  	s4 =	simm.s32 $0x1BF5;
	[smem:$0x3FBA] =	sst s0  }
0x18: {  	s0 =	sld [smem:$0x3F9D];
	_ =	swait.ge [sflag:s4], $0x0  }
0x19: {  	s7 =	sld [smem:$0x3F9E]  }
0x1a: {  	s8 =	sadd.s32 $0xFFFFE003, lr  }
0x1b: {  	s9 =	sadd.s32 $0xFFFFFEF7, lr;
	s5 =	simm.s32 $0xFFFFFFFF;
	p2 =	slt.u32 s8, $0xFFFFF086  }
0x1c: {  	p1 =	slt.u32 s9, $0xF7A;
	s5 =	simm.s32 @!p2 $0x0  }
0x1d: {  	s5 =	simm.s32 @p1 $0x1;
	p0 =	seq.s32 s7, s2  }
0x1e: {  	s7 =	smul.u32 @!p0 $0xF7A, s2;
	p2 =	seq.s32 @!p0 s5, $0x0  }
0x1f: {  	s9 =	smul.u32 $0xF7A, s1;
	s8 =	simm.s32 @!p0 $0x1BF5;
	p2 =	por !p2, p0  }
0x20: {  	[sflag:s8] =	ssyncset.s32 @!p0 $0xFFFFF086;
	s6 =	sadd.s32 @!p0 s3, s7;
	s7 =	simm.s32 @!p0 $0x108  }
0x21: {  	s3 =	sadd.s32 s3, s9;
	s6 =	sadd.s32 @!p0 $0x88, s6;
	s7 =	simm.s32 @p2 $0x1082  }
0x22: {  	[simem:s7], [sflag:s8] =	dma.local @!p0 [hbm:s6], $0xF7A  }
0x23: {  	s9 =	sor.u32 $0xD0000000, s2;
	s6 =	simm.s32 $0x108;
	_ =	swait.ge @!p0 [sflag:s8], $0x0  }
0x24: {  	s3 =	sadd.s32 $0x88, s3;
	s6 =	simm.s32 @!p1 $0x1082;
	[sflag:s4] =	ssyncset.s32 $0xFFFFF086  }
0x25: {  	[simem:s6], [sflag:s4] =	dma.local [hbm:s3], $0xF7A  }
0x26: {  	[smem:$0x3F9E] =	sst s1;
	(tag) =	ssettag s2;
	_ =	strace s9  }
0x27: {  	s1 =	sld [smem:$0x3FAE]  }
0x28: {  	s2 =	sld [smem:$0x3FAF]  }
0x29: {  	s4 =	sld [smem:$0x3FB1]  }
0x2a: {  	p0 =	seq.s32 s5, $0x0;
	s5 =	sld [smem:$0x3FB2]  }
0x2b: {  	s6 =	sld [smem:$0x3FB3]  }
0x2c: {  	s7 =	sld [smem:$0x3FB4]  }
0x2d: {  	s3 =	simm.s32 $0x108;
	s8 =	sld [smem:$0x3FB5]  }
0x2e: {  	s3 =	simm.s32 @!p0 $0x1082;
	s9 =	sld [smem:$0x3FB6]  }
0x2f: {  	lr =	sadd.s32 s0, s3;
	s0 =	sld [smem:$0x3FAD]  }
0x30: {  	s3 =	sld [smem:$0x3FB0]  }
0x31: {  	[smem:$0x3FB9] =	sst s10  }
0x32: {  	s10 =	sld [smem:$0x3FB7];
	_ =	sdelay $0x3  }
0x33: {  	p0 =	seq.s32 s10, $0x1;
	s10 =	sld [smem:$0x3FB9];
	_ =	sdelay $0x3  }
0x34: {  	[smem:$0x3FB9] =	sst s10  }
0x35: {  	s10 =	sld [smem:$0x3FB8];
	_ =	sdelay $0x3  }
0x36: {  	p1 =	seq.s32 s10, $0x1;
	s10 =	sld [smem:$0x3FB9];
	_ =	sdelay $0x3  }
0x37: {  	[smem:$0x3FB9] =	sst s10  }
0x38: {  	s10 =	sld [smem:$0x3FBA]  }
0x39: {  	_ = 	snop;
	(pc) =	sbr.ind lr, $3  }
0x3a: {  	_ = 	snop  }
0x3b: {  	_ = 	snop  }
0x3c: {  	p2 =	seq.s32 s10, $0x1;
	s10 =	sld [smem:$0x3FB9]  }
0x3d: {  	_ =	shalt  }
0x3e: {  	_ =	shalt  }
0x3f: {  	_ =	shalt  }
0x40: {  	_ =	shalt  }
0x41: {  	_ =	shalt  }
0x42: {  	_ =	shalt  }
0x43: {  	_ =	shalt  }
0x44: {  	_ =	shalt  }
0x45: {  	_ =	shalt  }
0x46: {  	_ =	shalt  }
0x47: {  	_ =	shalt  }
0x48: {  	_ =	shalt  }
0x49: {  	_ =	shalt  }
0x4a: {  	_ =	shalt  }
0x4b: {  	_ =	shalt  }
0x4c: {  	_ =	shalt  }
0x4d: {  	_ =	shalt  }
0x4e: {  	_ =	shalt  }
0x4f: {  	_ =	shalt  }
0x50: {  	_ =	shalt  }
0x51: {  	_ =	shalt  }
0x52: {  	_ =	shalt  }
0x53: {  	_ =	shalt  }
0x54: {  	_ =	shalt  }
0x55: {  	_ =	shalt  }
0x56: {  	_ =	shalt  }
0x57: {  	_ =	shalt  }
0x58: {  	_ =	shalt  }
0x59: {  	_ =	shalt  }
0x5a: {  	_ =	shalt  }
0x5b: {  	_ =	shalt  }
0x5c: {  	_ =	shalt  }
0x5d: {  	_ =	shalt  }
0x5e: {  	_ =	shalt  }
0x5f: {  	_ =	shalt  }
0x60: {  	_ =	shalt  }
0x61: {  	_ =	shalt  }
0x62: {  	_ =	shalt  }
0x63: {  	_ =	shalt  }
0x64: {  	_ =	shalt  }
0x65: {  	_ =	shalt  }
0x66: {  	_ =	shalt  }
0x67: {  	_ =	shalt  }
0x68: {  	_ =	shalt  }
0x69: {  	_ =	shalt  }
0x6a: {  	_ =	shalt  }
0x6b: {  	_ =	shalt  }
0x6c: {  	_ =	shalt  }
0x6d: {  	_ =	shalt  }
0x6e: {  	_ =	shalt  }
0x6f: {  	_ =	shalt  }
0x70: {  	_ =	shalt  }
0x71: {  	_ =	shalt  }
0x72: {  	_ =	shalt  }
0x73: {  	_ =	shalt  }
0x74: {  	_ =	shalt  }
0x75: {  	_ =	shalt  }
0x76: {  	_ =	shalt  }
0x77: {  	_ =	shalt  }
0x78: {  	_ =	shalt  }
0x79: {  	_ =	shalt  }
0x7a: {  	_ =	shalt  }
0x7b: {  	_ =	shalt  }
0x7c: {  	_ =	shalt  }
0x7d: {  	_ =	shalt  }
0x7e: {  	_ =	shalt  }
0x7f: {  	_ =	shalt  }
0x80: {  	_ =	shalt  }
0x81: {  	_ =	shalt  }
0x82: {  	_ =	shalt  }
0x83: {  	_ =	shalt  }
0x84: {  	_ =	shalt  }
0x85: {  	_ =	shalt  }
0x86: {  	_ =	shalt  }
0x87: {  	_ =	shalt  }
.Lfunc_end0:
.L_simem_size_0:
called_computation_lowered:
.L_overlay_start_0:
0x88: {  	s2 =	sld [smem:$0x3FD9]  }
0x89: {  	s3 =	sld [smem:$0x3FFE];
	_ =	sdelay $0x1  }
0x8a: {  	s1 =	srdreg.scid  }
0x8b: {  	s0 =	sand.u32 $0x1, s1  }
0x8c: {  	s17 =	sshll.u32 s0, $0xA;
	s2 =	sadd.s32 s3, s2  }
0x8d: {  	s2 =	sadd.s32 s2, s17  }
0x8e: {  	[smem:$0x3FC5] =	sst s2  }
0x8f: {  	_ = 	snop  }
0x90: {  	s2 =	sld [smem:$0x3FC9]  }
0x91: {  	s18 =	sld [smem:$0x3FC8]  }
0x92: {  	s4 =	sld [smem:$0x3FD0];
	(tm) =	ssettm $0x1  }
0x93: {  	s5 =	sld [smem:$0x3FFB];
	_ =	sdelay $0x3  }
0x94: {  	_ =	strace s5  }
0x95: {  	s5 =	sld [smem:$0x3FFC];
	_ =	sdelay $0x3  }
0x96: {  	_ =	strace s5  }
0x97: {  	s5 =	sld [smem:$0x3FFD];
	_ =	sdelay $0x3  }
0x98: {  	_ =	strace s5  }
0x99: {  	_ =	strace $0x8FFFFFFF  }
0x9a: {  	s19 =	sld [smem:$0x3FDB];
	_ =	sdelay $0x1  }
0x9b: {  	s6 =	simm.s32 $_scs_section_size  }
0x9c: {  	s7 =	simm.s32 $_size__tile_overlayer_lowered;
	s8 =	simm.s32 $_tile_overlayer_lowered  }
0x9d: {  	s22 =	simm.s32 $0x1BFF;
	s21 =	sshll.u32 s8, $0x1;
	s5 =	sadd.s32 s6, s19  }
0x9e: {  	s9 =	simm.s32 $0x0;
	s20 =	sshll.u32 s7, $0x1;
	s7 =	sadd.s32 s21, s5  }
0x9f: {  	[timem:s9], [sflag:s22] =	dma.local [hbm:s7], s20  }
0xa0: {  	_ =	swait.ge [sflag:s22], s20  }
0xa1: {  	s6 =	ssub.s32 $0x0, s20;
	[sflag:s22] =	ssyncset.done $0x0  }
0xa2: {  	[sflag:s22] =	ssyncadd.s32 s6;
	_ =	sdelay $0x1  }
0xa3: {  	s23 =	simm.s32 $0x1B8B  }
0xa4: {  	_ =	swait.ge [sflag:s23], $0x1  }
0xa5: {  	[sflag:s23] =	ssyncset.done $0x0  }
0xa6: {  	s25 =	simm.s32 $0x1B8E;
	s24 =	sld [smem:$0x3FFE];
	[sflag:s23] =	ssyncadd.s32 $0xFFFFFFFF  }
0xa7: {  	s26 =	simm.s32 $execute0_lowered;
	[smem:$0x3FD2] =	sst s25  }
0xa8: {  	s7 =	sshll.u32 s26, $0x1;
	_ =	strace $0x80000046;
	[dreg:$0x1] =	wrdreg $0xFFFFFFFF  }
0xa9: {  	s28 =	simm.s32 $_size_execute0_lowered;
	s5 =	sadd.s32 s5, s7;
	[dreg:$0x0] =	wrdreg $0x0  }
0xaa: {  	s7 =	sshll.u32 s28, $0x1;
	[dreg:$0x2] =	wrdreg s5  }
0xab: {  	[dreg:$0x3] =	wrdreg s7  }
0xac: {  	[dreg:$0x4] =	wrdreg $0xC0  }
0xad: {  	_ =	task [dreg:s9], $0x5FFFF  }
0xae: {  	[dreg:$0x1] =	wrdreg $0xFFFFFFFF  }
0xaf: {  	[dreg:$0x0] =	wrdreg $0x60  }
0xb0: {  	[dreg:$0x2] =	wrdreg s2  }
0xb1: {  	[dreg:$0x3] =	wrdreg s18  }
0xb2: {  	[dreg:$0x4] =	wrdreg s24  }
0xb3: {  	[dreg:$0x5] =	wrdreg s4  }
0xb4: {  	[dreg:$0x6] =	wrdreg $0x9  }
0xb5: {  	_ =	task.clear_ibuf [dreg:s9], $0x7FFFF;
	_ =	strace $0x90000046  }
0xb6: {  	s29 =	simm.s32 $0x9;
	_ =	strace $0x80000048  }
0xb7: {  	_ =	swait.ge [sflag:s29], $0x1  }
0xb8: {  	[sflag:s29] =	ssyncadd.s32 $0xFFFFFFFF  }
0xb9: {  	_ =	strace $0x90000048  }
0xba: {  	_ =	sfence  }
0xbb: {  	s30 =	sld [smem:$0x0];
	_ =	sdelay $0x2  }
0xbc: {  	s31 =	sshll.u32 s1, $0xD;
	s1 =	sshrl.u32 s1, $0x2  }
0xbd: {  	s3 =	sand.u32 $0x4000, s31;
	s1 =	sadd.s32 s1, s30  }
0xbe: {  	s0 =	sor.u32 s3, s0;
	s1 =	sshll.u32 s1, $0x11  }
0xbf: {  	s0 =	sor.u32 s1, s0  }
0xc0: {  	s0 =	sadd.s32 $0x8F2B, s0  }
0xc1: {  	[sflag:s0] =	ssyncadd.remote.s32 $0x1  }
0xc2: {  	_ =	sfence.sel $0xFFFF  }
0xc3: {  	[dreg:$0x0] =	wrdreg $0xFFFFFFFF;
	(pc) =	sbr.abs _section_cstart, $3  }
0xc4: {  	[dreg:$0x1] =	wrdreg $0xFFFFFFFF  }
0xc5: {  	_ =	task.clear_ibuf [dreg:s9], $0x2FFFF;
	_ =	strace $0x9FFFFFFF  }
0xc6: {  	(tm) =	ssettm $0x7FFFFFFF  }
0xc7: {  	_ =	shalt  }
tec
execute0_lowered:
.L_overlay_start_1:
0x0: {  	(tag) =	ssettag $0x1  }
0x1: {  	s0 =	rddreg [dreg:$0x0]  }
0x2: {  	s1 =	rddreg [dreg:$0x1];
	s12 =	stileid.u32  }
0x3: {  	s3 =	srdreg.scid;
	s10 =	smul.u32 $0x4E20, s12  }
0x4: {  	s2 =	rddreg [dreg:$0x2];
	s5 =	sand.u32 $0x1, s3;
	s19 =	smul.u32 $0x4E200, s12  }
0x5: {  	s4 =	rddreg [dreg:$0x3];
	s6 =	sshll.u32 s12, $0x1;
	s13 =	smul.u32 $0x2710, s5  }
0x6: {  	s6 =	sor.u32 s5, s6;
	s8 =	ssub.s32 $0x2, s5;
	s5 =	smul.u32 $0x27100, s5  }
0x7: {  	s29 =	simm.s32 $0x1B300;
	s3 =	simm.s32 $0x0;
	s7 =	smul.u32 $0x2710, s6  }
0x8: {  	s30 =	simm.s32 $0x1CB00;
	[smem:$0x7FF] =	sst s3;
	s14 =	smul.u32 $0x138800, s6  }
0x9: {  	_ =	strace $0x80000047;
	s11 =	sshrl.u32 s8, $0x1;
	s6 =	smul.u32 $0x27100, s6  }
0xa: {  	s8 =	ssub.s32 s8, s11;
	s9 =	sshrl.u32 s7, $0x3;
	s7 =	sadd.s32 $0x2700, s7  }
0xb: {  	s8 =	smax.u32 s8, $0x1;
	s9 =	sadd.s32 s2, s9;
	s2 =	sadd.s32 s13, s10  }
0xc: {  	s15 =	sshrl.u32 s7, $0x3;
	s13 =	sadd.s32 s0, s6;
	[dreg:$0xb] =	wrdreg s8  }
0xd: {  	s7 =	sshll.u32 s7, $0x4;
	s8 =	simm.s32 $0xAF00;
	[dreg:$0x5] =	wrdreg s9  }
0xe: {  	s9 =	sadd.s32 $0x9E00, s9;
	s16 =	sadd.s32 $0x80, s2;
	s10 =	smul.u32 $0x180, s15  }
0xf: {  	s20 =	sadd.s32 $0x40, s2;
	s7 =	sadd.s32 s0, s7;
	s22 =	sshrl.u32 s2, $0x3  }
0x10: {  	s2 =	sadd.s32 $0xC0, s2;
	s28 =	sadd.s32 $0x80, s13;
	[dreg:$0x7] =	wrdreg s13  }
0x11: {  	s31 =	sadd.s32 $0x100, s13;
	s13 =	simm.s32 $0x5300;
	[dreg:$0x6] =	wrdreg s9  }
0x12: {  	s15 =	simm.s32 $0x19B00;
	s9 =	sshrl.u32 s14, $0x3;
	[dreg:$0x9] =	wrdreg s7  }
0x13: {  	s11 =	sshrl.u32 s16, $0x3;
	s21 =	sshrl.u32 s20, $0x3;
	[dreg:$0x10] =	wrdreg s28  }
0x14: {  	s23 =	smul.u32 $0x180, s22;
	s2 =	sshrl.u32 s2, $0x3;
	[dreg:$0x11] =	wrdreg s31  }
0x15: {  	s16 =	simm.s32 $0x1A700;
	s22 =	simm.s32 $0x2;
	s18 =	smul.u32 $0x180, s11  }
0x16: {  	s9 =	sadd.s32 s0, s9;
	s7 =	smul.u32 $0x180, s21;
	s10 =	sadd.s32 s4, s10  }
0x17: {  	s0 =	sadd.s32 s19, s0;
	s2 =	smul.u32 $0x180, s2;
	s11 =	simm.s32 $0x5F00  }
0x18: {  	s19 =	simm.s32 $0x6300;
	s21 =	simm.s32 $0x11B00;
	s17 =	sadd.s32 $0x400, s9  }
0x19: {  	[dreg:$0xa] =	wrdreg s10;
	s12 =	sadd.s32 s5, s0;
	s25 =	sadd.s32 s23, s4  }
0x1a: {  	s5 =	simm.s32 $0x5B00;
	s9 =	simm.s32 $0x1;
	s10 =	simm.s32 $0x16F00  }
0x1b: {  	s23 =	simm.s32 $0x3;
	[dreg:$0x8] =	wrdreg s17;
	s6 =	sadd.s32 s18, s4  }
.Ltmp0:
0x1c: {  	s24 =	sadd.s32 s7, s4;
	[dreg:$0xe] =	wrdreg s25;
	(pc) =	sbr.rel .LBB2_1-.Ltmp0, $4  }
0x1d: {  	s26 =	sadd.s32 s2, s4;
	s18 =	simm.s32 $0x4F00;
	[dreg:$0xc] =	wrdreg s6  }
0x1e: {  	v2 =	vlaneseq.u32;
	s17 =	simm.s32 $0x5700;
	s7 =	simm.s32 $0x10F00;
	[dreg:$0xd] =	wrdreg s24  }
0x1f: {  	vm0 =	vmmov $0xff;
	v1 =	vshrl.u32 v2, $0x3;
	s25 =	simm.s32 $0x5;
	s2 =	simm.s32 $0x0;
	[dreg:$0xf] =	wrdreg s26  }
0x20: {  	v0 =	vand.u32 $0x7, v2;
	v2 =	vor.u32 $0x8, v2;
	v1 =	vmul.u32 $0x8, v1;
	s6 =	simm.s32 $0x1BF00;
	s24 =	simm.s32 $0x4;
	s26 =	simm.s32 $0x6  }
.LBB2_7:
0x21: {  	_ =	swait.ge [sflag:s25], $0x6000  }
0x22: {  	[sflag:s25] =	ssyncset.done $0x0  }
0x23: {  	[sflag:s25] =	ssyncadd.s32 $0xFFFFA000  }
0x24: {  	_ =	swait.ge [sflag:s26], $0x6000  }
0x25: {  	[sflag:s26] =	ssyncset.done $0x0  }
0x26: {  	s0 =	simm.s32 $0x7;
	[sflag:s26] =	ssyncadd.s32 $0xFFFFA000  }
0x27: {  	_ =	swait.ge [sflag:s0], $0x6000  }
0x28: {  	[sflag:s0] =	ssyncset.done $0x0  }
0x29: {  	s19 =	simm.s32 $0x8;
	[sflag:s0] =	ssyncadd.s32 $0xFFFFA000  }
0x2a: {  	_ =	swait.ge [sflag:s19], $0x6000  }
0x2b: {  	[sflag:s19] =	ssyncset.done $0x0  }
0x2c: {  	s20 =	rddreg [dreg:$0x9];
	[sflag:s19] =	ssyncadd.s32 $0xFFFFA000  }
0x2d: {  	[tilespmem:s18], [sflag:$0x1] =	stream.linear.gather [hbm4b:s20+s3], $0x400, $0x38;
	[tilespmem:$0x1CF00] =	vst v63  }
0x2e: {  	s5 =	simm.s32 $0x5B00;
	s0 =	sadd.s32 $0x80, s20  }
0x2f: {  	[tilespmem:s5], [sflag:$0x1] =	stream.linear.gather [hbm4b:s0+s3], $0x400, $0x38;
	[tilespmem:$0x1CF00] =	vst v63  }
0x30: {  	v3 =	vld [tilespmem:$0x2700];
	_ =	sdelay $0x4  }
0x31: {  	v4 =	vperm.xlane v3, v0;
	_ =	sdelay $0x1  }
0x32: {  	v3 =	vperm.xlane v3, v2;
	v4 =	vadd.s32 v1, v4;
	_ =	sdelay $0x1  }
0x33: {  	v3 =	vadd.s32 v1, v3;
	_ =	sdelay $0x2  }
0x34: {  	[tilespmem:s13], [sflag:$0x1] =	stream.indirect_vreg.gather [hbm4b:s1+s3], $0x80, v4, vm0, $0xb8;
	[tilespmem:$0x1CF00] =	vst v63  }
0x35: {  	s11 =	simm.s32 $0x5F00  }
0x36: {  	[tilespmem:s11], [sflag:$0x1] =	stream.indirect_vreg.gather [hbm4b:s1+s3], $0x80, v3, vm0, $0xb8;
	[tilespmem:$0x1CF00] =	vst v63  }
0x37: {  	v3 =	vld [tilespmem:$0x4E80];
	_ =	sdelay $0x4  }
0x38: {  	v63 =	vperm.xlane v3, v0;
	_ =	sdelay $0x1  }
0x39: {  	v3 =	vperm.xlane v3, v2;
	v4 =	vadd.s32 v1, v63;
	_ =	sdelay $0x1  }
0x3a: {  	v3 =	vadd.s32 v1, v3;
	_ =	sdelay $0x1  }
0x3b: {  	s17 =	simm.s32 $0x5700  }
0x3c: {  	[tilespmem:s17], [sflag:$0x1] =	stream.indirect_vreg.gather [hbm4b:s1+s3], $0x80, v4, vm0, $0xb8;
	[tilespmem:$0x1CF00] =	vst v63  }
0x3d: {  	s19 =	simm.s32 $0x6300  }
0x3e: {  	[tilespmem:s19], [sflag:$0x1] =	stream.indirect_vreg.gather [hbm4b:s1+s3], $0x80, v3, vm0, $0xb8;
	[tilespmem:$0x1CF00] =	vst v63  }
0x3f: {  	_ =	swait.ge [sflag:s9], $0x800  }
0x40: {  	[sflag:s9] =	ssyncset.done $0x0  }
0x41: {  	[sflag:s9] =	ssyncadd.s32 $0xFFFFF800  }
0x42: {  	_ =	swait.ge [sflag:s9], $0x800  }
0x43: {  	[sflag:s9] =	ssyncset.done $0x0  }
0x44: {  	[sflag:s9] =	ssyncadd.s32 $0xFFFFF800  }
0x45: {  	_ =	swait.ge [sflag:s9], $0x800  }
0x46: {  	[sflag:s9] =	ssyncset.done $0x0  }
0x47: {  	s28 =	rddreg [dreg:$0xa];
	[sflag:s9] =	ssyncadd.s32 $0xFFFFF800  }
0x48: {  	[hbm4b:s28+s3] =	stream.linear.scatter [tilespmem:s18], [sflag:$0x5], $0x1800, $0x38;
	[tilespmem:$0x1CF00] =	vst v63  }
0x49: {  	_ =	swait.ge [sflag:s25], $0x1800  }
0x4a: {  	s2 =	rddreg [dreg:$0x12]  }
0x4b: {  	s31 =	rddreg [dreg:$0xb];
	s2 =	sadd.s32 $0x1, s2  }
0x4c: {  	p0 =	sne.s32 s2, s31  }
.Ltmp1:
0x4d: {  	_ = 	snop;
	(pc) =	sbr.rel @!p0 .LBB2_8-.Ltmp1, $3  }
0x4e: {  	_ =	sdelay $0x1  }
0x4f: {  	[sflag:s25] =	ssyncset.done $0x0  }
0x50: {  	[sflag:s25] =	ssyncadd.s32 $0xFFFFE800  }
.LBB2_1:
0x51: {  	[dreg:$0x12] =	wrdreg s2  }
0x52: {  	s0 =	rddreg [dreg:$0x6];
	s20 =	simm.s32 $0x9  }
0x53: {  	[tilespmem:s3], [sflag:$0x9] =	stream.linear.gather [hbm4b:s0+s3], $0x2710, $0x38;
	[tilespmem:$0x1CF00] =	vst v63  }
0x54: {  	_ =	swait.ge [sflag:s20], $0x2710  }
0x55: {  	[sflag:s20] =	ssyncset.done $0x0  }
0x56: {  	s4 =	simm.s32 $0x2780;
	s14 =	rddreg [dreg:$0x5];
	[sflag:s20] =	ssyncadd.s32 $0xFFFFD8F0  }
0x57: {  	[tilespmem:s4], [sflag:$0x9] =	stream.linear.gather [hbm4b:s14+s3], $0x2710, $0x38;
	[tilespmem:$0x1CF00] =	vst v63  }
0x58: {  	_ =	swait.ge [sflag:s20], $0x2710  }
0x59: {  	[sflag:s20] =	ssyncset.done $0x0  }
0x5a: {  	s2 =	rddreg [dreg:$0x7];
	[sflag:s20] =	ssyncadd.s32 $0xFFFFD8F0  }
0x5b: {  	[tilespmem:s18], [sflag:$0x1] =	stream.linear.gather [hbm4b:s2+s3], $0x400, $0x38;
	[tilespmem:$0x1CF00] =	vst v63  }
0x5c: {  	s20 =	rddreg [dreg:$0x10]  }
0x5d: {  	[tilespmem:s5], [sflag:$0x1] =	stream.linear.gather [hbm4b:s20+s3], $0x400, $0x38;
	[tilespmem:$0x1CF00] =	vst v63  }
0x5e: {  	s4 =	rddreg [dreg:$0x11];
	s5 =	simm.s32 $0x6700  }
0x5f: {  	[tilespmem:s5], [sflag:$0x1] =	stream.linear.gather [hbm4b:s4+s3], $0x400, $0x38;
	[tilespmem:$0x1CF00] =	vst v63  }
0x60: {  	s14 =	sadd.s32 $0x180, s2;
	s20 =	simm.s32 $0x7300  }
0x61: {  	[tilespmem:s20], [sflag:$0x1] =	stream.linear.gather [hbm4b:s14+s3], $0x400, $0x38;
	[tilespmem:$0x1CF00] =	vst v63  }
0x62: {  	s4 =	sadd.s32 $0x200, s2;
	s5 =	simm.s32 $0x7F00  }
0x63: {  	[tilespmem:s5], [sflag:$0x1] =	stream.linear.gather [hbm4b:s4+s3], $0x400, $0x38;
	[tilespmem:$0x1CF00] =	vst v63  }
0x64: {  	s14 =	sadd.s32 $0x280, s2;
	s20 =	simm.s32 $0x8B00  }
0x65: {  	[tilespmem:s20], [sflag:$0x1] =	stream.linear.gather [hbm4b:s14+s3], $0x400, $0x38;
	[tilespmem:$0x1CF00] =	vst v63  }
0x66: {  	s4 =	sadd.s32 $0x300, s2;
	s5 =	simm.s32 $0x9700  }
0x67: {  	[tilespmem:s5], [sflag:$0x1] =	stream.linear.gather [hbm4b:s4+s3], $0x400, $0x38;
	[tilespmem:$0x1CF00] =	vst v63  }
0x68: {  	s14 =	sadd.s32 $0x380, s2;
	s20 =	simm.s32 $0xA300  }
0x69: {  	[tilespmem:s20], [sflag:$0x1] =	stream.linear.gather [hbm4b:s14+s3], $0x400, $0x38;
	[tilespmem:$0x1CF00] =	vst v63  }
0x6a: {  	v3 =	vld [tilespmem:$0x0];
	_ =	sdelay $0x4  }
0x6b: {  	v4 =	vperm.xlane v3, v0;
	_ =	sdelay $0x1  }
0x6c: {  	v3 =	vperm.xlane v3, v2;
	v4 =	vadd.s32 v1, v4;
	_ =	sdelay $0x1  }
0x6d: {  	v3 =	vadd.s32 v1, v3;
	_ =	sdelay $0x2  }
0x6e: {  	[tilespmem:s13], [sflag:$0x1] =	stream.indirect_vreg.gather [hbm4b:s1+s3], $0x80, v4, vm0, $0xb8;
	[tilespmem:$0x1CF00] =	vst v63  }
0x6f: {  	_ = 	snop  }
0x70: {  	[tilespmem:s11], [sflag:$0x1] =	stream.indirect_vreg.gather [hbm4b:s1+s3], $0x80, v3, vm0, $0xb8;
	[tilespmem:$0x1CF00] =	vst v63  }
0x71: {  	v3 =	vld [tilespmem:$0x10];
	_ =	sdelay $0x4  }
0x72: {  	v49 =	vperm.xlane v3, v0;
	_ =	sdelay $0x1  }
0x73: {  	v3 =	vperm.xlane v3, v2;
	v4 =	vadd.s32 v1, v49;
	_ =	sdelay $0x1  }
0x74: {  	v3 =	vadd.s32 v1, v3;
	_ =	sdelay $0x1  }
0x75: {  	s2 =	simm.s32 $0x6B00  }
0x76: {  	[tilespmem:s2], [sflag:$0x1] =	stream.indirect_vreg.gather [hbm4b:s1+s3], $0x80, v4, vm0, $0xb8;
	[tilespmem:$0x1CF00] =	vst v63  }
0x77: {  	s4 =	simm.s32 $0x7700  }
0x78: {  	[tilespmem:s4], [sflag:$0x1] =	stream.indirect_vreg.gather [hbm4b:s1+s3], $0x80, v3, vm0, $0xb8;
	[tilespmem:$0x1CF00] =	vst v63  }
0x79: {  	v3 =	vld [tilespmem:$0x20];
	_ =	sdelay $0x4  }
0x7a: {  	v50 =	vperm.xlane v3, v0;
	_ =	sdelay $0x1  }
0x7b: {  	v3 =	vperm.xlane v3, v2;
	v4 =	vadd.s32 v1, v50;
	_ =	sdelay $0x1  }
0x7c: {  	v3 =	vadd.s32 v1, v3;
	_ =	sdelay $0x1  }
0x7d: {  	s5 =	simm.s32 $0x8300  }
0x7e: {  	[tilespmem:s5], [sflag:$0x1] =	stream.indirect_vreg.gather [hbm4b:s1+s3], $0x80, v4, vm0, $0xb8;
	[tilespmem:$0x1CF00] =	vst v63  }
0x7f: {  	s11 =	simm.s32 $0x8F00  }
0x80: {  	[tilespmem:s11], [sflag:$0x1] =	stream.indirect_vreg.gather [hbm4b:s1+s3], $0x80, v3, vm0, $0xb8;
	[tilespmem:$0x1CF00] =	vst v63  }
0x81: {  	v3 =	vld [tilespmem:$0x30];
	_ =	sdelay $0x4  }
0x82: {  	v51 =	vperm.xlane v3, v0;
	_ =	sdelay $0x1  }
0x83: {  	v3 =	vperm.xlane v3, v2;
	v4 =	vadd.s32 v1, v51;
	_ =	sdelay $0x1  }
0x84: {  	v3 =	vadd.s32 v1, v3;
	_ =	sdelay $0x1  }
0x85: {  	s14 =	simm.s32 $0x9B00  }
0x86: {  	[tilespmem:s14], [sflag:$0x1] =	stream.indirect_vreg.gather [hbm4b:s1+s3], $0x80, v4, vm0, $0xb8;
	[tilespmem:$0x1CF00] =	vst v63  }
0x87: {  	s20 =	simm.s32 $0xA700  }
0x88: {  	[tilespmem:s20], [sflag:$0x1] =	stream.indirect_vreg.gather [hbm4b:s1+s3], $0x80, v3, vm0, $0xb8;
	[tilespmem:$0x1CF00] =	vst v63  }
0x89: {  	v3 =	vld [tilespmem:$0x2780];
	_ =	sdelay $0x4  }
0x8a: {  	v52 =	vperm.xlane v3, v0;
	_ =	sdelay $0x1  }
0x8b: {  	v3 =	vperm.xlane v3, v2;
	v4 =	vadd.s32 v1, v52;
	_ =	sdelay $0x1  }
0x8c: {  	v3 =	vadd.s32 v1, v3;
	_ =	sdelay $0x2  }
0x8d: {  	[tilespmem:s17], [sflag:$0x1] =	stream.indirect_vreg.gather [hbm4b:s1+s3], $0x80, v4, vm0, $0xb8;
	[tilespmem:$0x1CF00] =	vst v63  }
0x8e: {  	_ = 	snop  }
0x8f: {  	[tilespmem:s19], [sflag:$0x1] =	stream.indirect_vreg.gather [hbm4b:s1+s3], $0x80, v3, vm0, $0xb8;
	[tilespmem:$0x1CF00] =	vst v63  }
0x90: {  	v3 =	vld [tilespmem:$0x2790];
	_ =	sdelay $0x4  }
0x91: {  	v53 =	vperm.xlane v3, v0;
	_ =	sdelay $0x1  }
0x92: {  	v3 =	vperm.xlane v3, v2;
	v4 =	vadd.s32 v1, v53;
	_ =	sdelay $0x1  }
0x93: {  	v3 =	vadd.s32 v1, v3;
	_ =	sdelay $0x1  }
0x94: {  	s2 =	simm.s32 $0x6F00  }
0x95: {  	[tilespmem:s2], [sflag:$0x1] =	stream.indirect_vreg.gather [hbm4b:s1+s3], $0x80, v4, vm0, $0xb8;
	[tilespmem:$0x1CF00] =	vst v63  }
0x96: {  	s4 =	simm.s32 $0x7B00  }
0x97: {  	[tilespmem:s4], [sflag:$0x1] =	stream.indirect_vreg.gather [hbm4b:s1+s3], $0x80, v3, vm0, $0xb8;
	[tilespmem:$0x1CF00] =	vst v63  }
0x98: {  	v3 =	vld [tilespmem:$0x27A0];
	_ =	sdelay $0x4  }
0x99: {  	v54 =	vperm.xlane v3, v0;
	_ =	sdelay $0x1  }
0x9a: {  	v3 =	vperm.xlane v3, v2;
	v4 =	vadd.s32 v1, v54;
	_ =	sdelay $0x1  }
0x9b: {  	v3 =	vadd.s32 v1, v3;
	_ =	sdelay $0x1  }
0x9c: {  	s5 =	simm.s32 $0x8700  }
0x9d: {  	[tilespmem:s5], [sflag:$0x1] =	stream.indirect_vreg.gather [hbm4b:s1+s3], $0x80, v4, vm0, $0xb8;
	[tilespmem:$0x1CF00] =	vst v63  }
0x9e: {  	s11 =	simm.s32 $0x9300  }
0x9f: {  	[tilespmem:s11], [sflag:$0x1] =	stream.indirect_vreg.gather [hbm4b:s1+s3], $0x80, v3, vm0, $0xb8;
	[tilespmem:$0x1CF00] =	vst v63  }
0xa0: {  	v3 =	vld [tilespmem:$0x27B0];
	_ =	sdelay $0x4  }
0xa1: {  	v55 =	vperm.xlane v3, v0;
	_ =	sdelay $0x1  }
0xa2: {  	v3 =	vperm.xlane v3, v2;
	v4 =	vadd.s32 v1, v55;
	_ =	sdelay $0x1  }
0xa3: {  	v3 =	vadd.s32 v1, v3;
	_ =	sdelay $0x1  }
0xa4: {  	s14 =	simm.s32 $0x9F00  }
0xa5: {  	[tilespmem:s14], [sflag:$0x1] =	stream.indirect_vreg.gather [hbm4b:s1+s3], $0x80, v4, vm0, $0xb8;
	[tilespmem:$0x1CF00] =	vst v63  }
0xa6: {  	s17 =	simm.s32 $0xAB00  }
0xa7: {  	[tilespmem:s17], [sflag:$0x1] =	stream.indirect_vreg.gather [hbm4b:s1+s3], $0x80, v3, vm0, $0xb8;
	[tilespmem:$0x1CF00] =	vst v63  }
0xa8: {  	s2 =	rddreg [dreg:$0x8]  }
0xa9: {  	[tilespmem:s8], [sflag:$0x2] =	stream.linear.gather [hbm4b:s2+s3], $0x400, $0x38;
	[tilespmem:$0x1CF00] =	vst v63  }
0xaa: {  	s20 =	simm.s32 $0xBB00;
	s19 =	sadd.s32 $0x80, s2  }
0xab: {  	[tilespmem:s20], [sflag:$0x2] =	stream.linear.gather [hbm4b:s19+s3], $0x400, $0x38;
	[tilespmem:$0x1CF00] =	vst v63  }
0xac: {  	s5 =	sadd.s32 $0x100, s2;
	s11 =	simm.s32 $0xC700  }
0xad: {  	[tilespmem:s11], [sflag:$0x2] =	stream.linear.gather [hbm4b:s5+s3], $0x400, $0x38;
	[tilespmem:$0x1CF00] =	vst v63  }
0xae: {  	s14 =	sadd.s32 $0x180, s2;
	s17 =	simm.s32 $0xD300  }
0xaf: {  	[tilespmem:s17], [sflag:$0x2] =	stream.linear.gather [hbm4b:s14+s3], $0x400, $0x38;
	[tilespmem:$0x1CF00] =	vst v63  }
0xb0: {  	s19 =	sadd.s32 $0x200, s2;
	s20 =	simm.s32 $0xDF00  }
0xb1: {  	[tilespmem:s20], [sflag:$0x2] =	stream.linear.gather [hbm4b:s19+s3], $0x400, $0x38;
	[tilespmem:$0x1CF00] =	vst v63  }
0xb2: {  	s5 =	sadd.s32 $0x280, s2;
	s11 =	simm.s32 $0xEB00  }
0xb3: {  	[tilespmem:s11], [sflag:$0x2] =	stream.linear.gather [hbm4b:s5+s3], $0x400, $0x38;
	[tilespmem:$0x1CF00] =	vst v63  }
0xb4: {  	s14 =	sadd.s32 $0x300, s2;
	s17 =	simm.s32 $0xF700  }
0xb5: {  	[tilespmem:s17], [sflag:$0x2] =	stream.linear.gather [hbm4b:s14+s3], $0x400, $0x38;
	[tilespmem:$0x1CF00] =	vst v63  }
0xb6: {  	s19 =	sadd.s32 $0x380, s2;
	s20 =	simm.s32 $0x10300  }
0xb7: {  	[tilespmem:s20], [sflag:$0x2] =	stream.linear.gather [hbm4b:s19+s3], $0x400, $0x38;
	[tilespmem:$0x1CF00] =	vst v63  }
0xb8: {  	v3 =	vld [tilespmem:$0x40];
	_ =	sdelay $0x4  }
0xb9: {  	v56 =	vperm.xlane v3, v0;
	_ =	sdelay $0x1  }
0xba: {  	v3 =	vperm.xlane v3, v2;
	v4 =	vadd.s32 v1, v56;
	_ =	sdelay $0x1  }
0xbb: {  	v3 =	vadd.s32 v1, v3;
	_ =	sdelay $0x1  }
0xbc: {  	s2 =	simm.s32 $0xB300  }
0xbd: {  	[tilespmem:s2], [sflag:$0x2] =	stream.indirect_vreg.gather [hbm4b:s1+s3], $0x80, v4, vm0, $0xb8;
	[tilespmem:$0x1CF00] =	vst v63  }
0xbe: {  	s4 =	simm.s32 $0xBF00  }
0xbf: {  	[tilespmem:s4], [sflag:$0x2] =	stream.indirect_vreg.gather [hbm4b:s1+s3], $0x80, v3, vm0, $0xb8;
	[tilespmem:$0x1CF00] =	vst v63  }
0xc0: {  	v3 =	vld [tilespmem:$0x50];
	_ =	sdelay $0x4  }
0xc1: {  	v57 =	vperm.xlane v3, v0;
	_ =	sdelay $0x1  }
0xc2: {  	v3 =	vperm.xlane v3, v2;
	v4 =	vadd.s32 v1, v57;
	_ =	sdelay $0x1  }
0xc3: {  	v3 =	vadd.s32 v1, v3;
	_ =	sdelay $0x1  }
0xc4: {  	s5 =	simm.s32 $0xCB00  }
0xc5: {  	[tilespmem:s5], [sflag:$0x2] =	stream.indirect_vreg.gather [hbm4b:s1+s3], $0x80, v4, vm0, $0xb8;
	[tilespmem:$0x1CF00] =	vst v63  }
0xc6: {  	s11 =	simm.s32 $0xD700  }
0xc7: {  	[tilespmem:s11], [sflag:$0x2] =	stream.indirect_vreg.gather [hbm4b:s1+s3], $0x80, v3, vm0, $0xb8;
	[tilespmem:$0x1CF00] =	vst v63  }
0xc8: {  	v3 =	vld [tilespmem:$0x60];
	_ =	sdelay $0x4  }
0xc9: {  	v58 =	vperm.xlane v3, v0;
	_ =	sdelay $0x1  }
0xca: {  	v3 =	vperm.xlane v3, v2;
	v4 =	vadd.s32 v1, v58;
	_ =	sdelay $0x1  }
0xcb: {  	v3 =	vadd.s32 v1, v3;
	_ =	sdelay $0x1  }
0xcc: {  	s14 =	simm.s32 $0xE300  }
0xcd: {  	[tilespmem:s14], [sflag:$0x2] =	stream.indirect_vreg.gather [hbm4b:s1+s3], $0x80, v4, vm0, $0xb8;
	[tilespmem:$0x1CF00] =	vst v63  }
0xce: {  	s17 =	simm.s32 $0xEF00  }
0xcf: {  	[tilespmem:s17], [sflag:$0x2] =	stream.indirect_vreg.gather [hbm4b:s1+s3], $0x80, v3, vm0, $0xb8;
	[tilespmem:$0x1CF00] =	vst v63  }
0xd0: {  	v3 =	vld [tilespmem:$0x70];
	_ =	sdelay $0x4  }
0xd1: {  	v59 =	vperm.xlane v3, v0;
	_ =	sdelay $0x1  }
0xd2: {  	v3 =	vperm.xlane v3, v2;
	v4 =	vadd.s32 v1, v59;
	_ =	sdelay $0x1  }
0xd3: {  	v3 =	vadd.s32 v1, v3;
	_ =	sdelay $0x1  }
0xd4: {  	s19 =	simm.s32 $0xFB00  }
0xd5: {  	[tilespmem:s19], [sflag:$0x2] =	stream.indirect_vreg.gather [hbm4b:s1+s3], $0x80, v4, vm0, $0xb8;
	[tilespmem:$0x1CF00] =	vst v63  }
0xd6: {  	s20 =	simm.s32 $0x10700  }
0xd7: {  	[tilespmem:s20], [sflag:$0x2] =	stream.indirect_vreg.gather [hbm4b:s1+s3], $0x80, v3, vm0, $0xb8;
	[tilespmem:$0x1CF00] =	vst v63  }
0xd8: {  	v3 =	vld [tilespmem:$0x27C0];
	_ =	sdelay $0x4  }
0xd9: {  	v60 =	vperm.xlane v3, v0;
	_ =	sdelay $0x1  }
0xda: {  	v3 =	vperm.xlane v3, v2;
	v4 =	vadd.s32 v1, v60;
	_ =	sdelay $0x1  }
0xdb: {  	v3 =	vadd.s32 v1, v3;
	_ =	sdelay $0x1  }
0xdc: {  	s2 =	simm.s32 $0xB700  }
0xdd: {  	[tilespmem:s2], [sflag:$0x2] =	stream.indirect_vreg.gather [hbm4b:s1+s3], $0x80, v4, vm0, $0xb8;
	[tilespmem:$0x1CF00] =	vst v63  }
0xde: {  	s4 =	simm.s32 $0xC300  }
0xdf: {  	[tilespmem:s4], [sflag:$0x2] =	stream.indirect_vreg.gather [hbm4b:s1+s3], $0x80, v3, vm0, $0xb8;
	[tilespmem:$0x1CF00] =	vst v63  }
0xe0: {  	v3 =	vld [tilespmem:$0x27D0];
	_ =	sdelay $0x4  }
0xe1: {  	v61 =	vperm.xlane v3, v0;
	_ =	sdelay $0x1  }
0xe2: {  	v3 =	vperm.xlane v3, v2;
	v4 =	vadd.s32 v1, v61;
	_ =	sdelay $0x1  }
0xe3: {  	v3 =	vadd.s32 v1, v3;
	_ =	sdelay $0x1  }
0xe4: {  	s5 =	simm.s32 $0xCF00  }
0xe5: {  	[tilespmem:s5], [sflag:$0x2] =	stream.indirect_vreg.gather [hbm4b:s1+s3], $0x80, v4, vm0, $0xb8;
	[tilespmem:$0x1CF00] =	vst v63  }
0xe6: {  	s11 =	simm.s32 $0xDB00  }
0xe7: {  	[tilespmem:s11], [sflag:$0x2] =	stream.indirect_vreg.gather [hbm4b:s1+s3], $0x80, v3, vm0, $0xb8;
	[tilespmem:$0x1CF00] =	vst v63  }
0xe8: {  	v3 =	vld [tilespmem:$0x27E0];
	_ =	sdelay $0x4  }
0xe9: {  	v62 =	vperm.xlane v3, v0;
	_ =	sdelay $0x1  }
0xea: {  	v3 =	vperm.xlane v3, v2;
	v4 =	vadd.s32 v1, v62;
	_ =	sdelay $0x1  }
0xeb: {  	v3 =	vadd.s32 v1, v3;
	_ =	sdelay $0x1  }
0xec: {  	s14 =	simm.s32 $0xE700  }
0xed: {  	[tilespmem:s14], [sflag:$0x2] =	stream.indirect_vreg.gather [hbm4b:s1+s3], $0x80, v4, vm0, $0xb8;
	[tilespmem:$0x1CF00] =	vst v63  }
0xee: {  	s17 =	simm.s32 $0xF300  }
0xef: {  	[tilespmem:s17], [sflag:$0x2] =	stream.indirect_vreg.gather [hbm4b:s1+s3], $0x80, v3, vm0, $0xb8;
	[tilespmem:$0x1CF00] =	vst v63  }
0xf0: {  	v3 =	vld [tilespmem:$0x27F0];
	_ =	sdelay $0x4  }
0xf1: {  	v63 =	vperm.xlane v3, v0;
	_ =	sdelay $0x1  }
0xf2: {  	v3 =	vperm.xlane v3, v2;
	v4 =	vadd.s32 v1, v63;
	_ =	sdelay $0x1  }
0xf3: {  	v3 =	vadd.s32 v1, v3  }
0xf4: {  	s28 =	simm.s32 $0xFFFFFFFC;
	s0 =	rddreg [dreg:$0xf]  }
.Ltmp2:
0xf5: {  	s19 =	simm.s32 $0xFF00;
	s4 =	rddreg [dreg:$0xc];
	(pc) =	sbr.rel .LBB2_2-.Ltmp2, $4  }
0xf6: {  	[tilespmem:s19], [sflag:$0x2] =	stream.indirect_vreg.gather [hbm4b:s1+s3], $0x80, v4, vm0, $0xb8;
	[tilespmem:$0x1CF00] =	vst v63  }
0xf7: {  	s31 =	simm.s32 $0x2840;
	s20 =	simm.s32 $0x10B00;
	s5 =	rddreg [dreg:$0xd]  }
0xf8: {  	[tilespmem:s20], [sflag:$0x2] =	stream.indirect_vreg.gather [hbm4b:s1+s3], $0x80, v3, vm0, $0xb8;
	[tilespmem:$0x1CF00] =	vst v63  }
0xf9: {  	s2 =	simm.s32 $0xC0;
	s17 =	rddreg [dreg:$0xe];
	s20 =	simm.s32 $0x0  }
.LBB2_6:
0xfa: {  	_ =	swait.ge [sflag:s24], $0x2000  }
0xfb: {  	[sflag:s24] =	ssyncset.done $0x0  }
0xfc: {  	[sflag:s24] =	ssyncadd.s32 $0xFFFFE000  }
0xfd: {  	_ =	swait.ge [sflag:s24], $0x2000  }
0xfe: {  	s20 =	sadd.s32 $0x1000, s20;
	[sflag:s24] =	ssyncset.done $0x0  }
0xff: {  	p0 =	sne.s32 s20, $0x27000;
	[sflag:s24] =	ssyncadd.s32 $0xFFFFE000  }
.Ltmp3:
0x100: {  	_ =	swait.ge [sflag:s24], $0x2000;
	(pc) =	sbr.rel @!p0 .LBB2_7-.Ltmp3, $4  }
0x101: {  	s28 =	sadd.s32 $0x4, s28;
	s4 =	sadd.s32 $0x3000, s4;
	[sflag:s24] =	ssyncset.done $0x0  }
0x102: {  	s5 =	sadd.s32 $0x3000, s5;
	s31 =	sadd.s32 $0x100, s31;
	[sflag:s24] =	ssyncadd.s32 $0xFFFFE000  }
0x103: {  	[hbm4b:s0+s3] =	stream.linear.scatter [tilespmem:s10], [sflag:$0x8], $0x6000, $0x38;
	[tilespmem:$0x1CF00] =	vst v63  }
0x104: {  	s17 =	sadd.s32 $0x3000, s17;
	s2 =	sadd.s32 $0x100, s2;
	s0 =	sadd.s32 $0x3000, s0  }
.LBB2_2:
0x105: {  	p0 =	sgt.u32 s28, $0x97  }
0x106: {  	s19 =	simm.s32 @!p0 $0x7  }
0x107: {  	_ =	swait.ge @!p0 [sflag:s19], $0x6000  }
0x108: {  	s11 =	sadd.s32 s20, s12;
	[sflag:s19] =	ssyncset.done @!p0 $0x0  }
0x109: {  	s14 =	sadd.s32 $0x800, s11;
	[sflag:s19] =	ssyncadd.s32 @!p0 $0xFFFFA000  }
0x10a: {  	[tilespmem:s7], [sflag:$0x3] =	stream.linear.gather [hbm4b:s14+s3], $0x400, $0x38;
	[tilespmem:$0x1CF00] =	vst v63  }
0x10b: {  	s14 =	sadd.s32 $0x880, s11  }
0x10c: {  	[tilespmem:s21], [sflag:$0x3] =	stream.linear.gather [hbm4b:s14+s3], $0x400, $0x38;
	[tilespmem:$0x1CF00] =	vst v63  }
0x10d: {  	s19 =	sadd.s32 $0x900, s11;
	s14 =	simm.s32 $0x12700  }
0x10e: {  	[tilespmem:s14], [sflag:$0x3] =	stream.linear.gather [hbm4b:s19+s3], $0x400, $0x38;
	[tilespmem:$0x1CF00] =	vst v63  }
0x10f: {  	s19 =	sadd.s32 $0x980, s11;
	s14 =	simm.s32 $0x13300  }
0x110: {  	[tilespmem:s14], [sflag:$0x3] =	stream.linear.gather [hbm4b:s19+s3], $0x400, $0x38;
	[tilespmem:$0x1CF00] =	vst v63  }
0x111: {  	s19 =	sadd.s32 $0xA00, s11;
	s14 =	simm.s32 $0x13F00  }
0x112: {  	[tilespmem:s14], [sflag:$0x3] =	stream.linear.gather [hbm4b:s19+s3], $0x400, $0x38;
	[tilespmem:$0x1CF00] =	vst v63  }
0x113: {  	s19 =	sadd.s32 $0xA80, s11;
	s14 =	simm.s32 $0x14B00  }
0x114: {  	[tilespmem:s14], [sflag:$0x3] =	stream.linear.gather [hbm4b:s19+s3], $0x400, $0x38;
	[tilespmem:$0x1CF00] =	vst v63  }
0x115: {  	s19 =	sadd.s32 $0xB00, s11;
	s14 =	simm.s32 $0x15700  }
0x116: {  	[tilespmem:s14], [sflag:$0x3] =	stream.linear.gather [hbm4b:s19+s3], $0x400, $0x38;
	[tilespmem:$0x1CF00] =	vst v63  }
0x117: {  	s19 =	sadd.s32 $0xB80, s11;
	s14 =	simm.s32 $0x16300  }
0x118: {  	[tilespmem:s14], [sflag:$0x3] =	stream.linear.gather [hbm4b:s19+s3], $0x400, $0x38;
	[tilespmem:$0x1CF00] =	vst v63  }
0x119: {  	v3 =	vld [tilespmem:s2+$0xFFFFFFC0];
	_ =	sdelay $0x4  }
0x11a: {  	v4 =	vperm.xlane v3, v0;
	_ =	sdelay $0x1  }
0x11b: {  	v3 =	vperm.xlane v3, v2;
	v4 =	vadd.s32 v1, v4;
	_ =	sdelay $0x1  }
0x11c: {  	v3 =	vadd.s32 v1, v3;
	_ =	sdelay $0x1  }
0x11d: {  	s19 =	simm.s32 $0x11300  }
0x11e: {  	[tilespmem:s19], [sflag:$0x3] =	stream.indirect_vreg.gather [hbm4b:s1+s3], $0x80, v4, vm0, $0xb8;
	[tilespmem:$0x1CF00] =	vst v63  }
0x11f: {  	s19 =	simm.s32 $0x11F00  }
0x120: {  	[tilespmem:s19], [sflag:$0x3] =	stream.indirect_vreg.gather [hbm4b:s1+s3], $0x80, v3, vm0, $0xb8;
	[tilespmem:$0x1CF00] =	vst v63  }
0x121: {  	v3 =	vld [tilespmem:s2+$0xFFFFFFD0];
	_ =	sdelay $0x4  }
0x122: {  	v49 =	vperm.xlane v3, v0;
	_ =	sdelay $0x1  }
0x123: {  	v3 =	vperm.xlane v3, v2;
	v4 =	vadd.s32 v1, v49;
	_ =	sdelay $0x1  }
0x124: {  	v3 =	vadd.s32 v1, v3;
	_ =	sdelay $0x1  }
0x125: {  	s19 =	simm.s32 $0x12B00  }
0x126: {  	[tilespmem:s19], [sflag:$0x3] =	stream.indirect_vreg.gather [hbm4b:s1+s3], $0x80, v4, vm0, $0xb8;
	[tilespmem:$0x1CF00] =	vst v63  }
0x127: {  	s19 =	simm.s32 $0x13700  }
0x128: {  	[tilespmem:s19], [sflag:$0x3] =	stream.indirect_vreg.gather [hbm4b:s1+s3], $0x80, v3, vm0, $0xb8;
	[tilespmem:$0x1CF00] =	vst v63  }
0x129: {  	v3 =	vld [tilespmem:s2+$0xFFFFFFE0];
	_ =	sdelay $0x4  }
0x12a: {  	v50 =	vperm.xlane v3, v0;
	_ =	sdelay $0x1  }
0x12b: {  	v3 =	vperm.xlane v3, v2;
	v4 =	vadd.s32 v1, v50;
	_ =	sdelay $0x1  }
0x12c: {  	v3 =	vadd.s32 v1, v3;
	_ =	sdelay $0x1  }
0x12d: {  	s19 =	simm.s32 $0x14300  }
0x12e: {  	[tilespmem:s19], [sflag:$0x3] =	stream.indirect_vreg.gather [hbm4b:s1+s3], $0x80, v4, vm0, $0xb8;
	[tilespmem:$0x1CF00] =	vst v63  }
0x12f: {  	s19 =	simm.s32 $0x14F00  }
0x130: {  	[tilespmem:s19], [sflag:$0x3] =	stream.indirect_vreg.gather [hbm4b:s1+s3], $0x80, v3, vm0, $0xb8;
	[tilespmem:$0x1CF00] =	vst v63  }
0x131: {  	v3 =	vld [tilespmem:s2+$0xFFFFFFF0];
	_ =	sdelay $0x4  }
0x132: {  	v51 =	vperm.xlane v3, v0;
	_ =	sdelay $0x1  }
0x133: {  	v3 =	vperm.xlane v3, v2;
	v4 =	vadd.s32 v1, v51;
	_ =	sdelay $0x1  }
0x134: {  	v3 =	vadd.s32 v1, v3;
	_ =	sdelay $0x1  }
0x135: {  	s19 =	simm.s32 $0x15B00  }
0x136: {  	[tilespmem:s19], [sflag:$0x3] =	stream.indirect_vreg.gather [hbm4b:s1+s3], $0x80, v4, vm0, $0xb8;
	[tilespmem:$0x1CF00] =	vst v63  }
0x137: {  	s19 =	simm.s32 $0x16700  }
0x138: {  	[tilespmem:s19], [sflag:$0x3] =	stream.indirect_vreg.gather [hbm4b:s1+s3], $0x80, v3, vm0, $0xb8;
	[tilespmem:$0x1CF00] =	vst v63  }
0x139: {  	v3 =	vld [tilespmem:s31+$0xFFFFFFC0];
	_ =	sdelay $0x4  }
0x13a: {  	v52 =	vperm.xlane v3, v0;
	_ =	sdelay $0x1  }
0x13b: {  	v3 =	vperm.xlane v3, v2;
	v4 =	vadd.s32 v1, v52;
	_ =	sdelay $0x1  }
0x13c: {  	v3 =	vadd.s32 v1, v3;
	_ =	sdelay $0x1  }
0x13d: {  	s19 =	simm.s32 $0x11700  }
0x13e: {  	[tilespmem:s19], [sflag:$0x3] =	stream.indirect_vreg.gather [hbm4b:s1+s3], $0x80, v4, vm0, $0xb8;
	[tilespmem:$0x1CF00] =	vst v63  }
0x13f: {  	s19 =	simm.s32 $0x12300  }
0x140: {  	[tilespmem:s19], [sflag:$0x3] =	stream.indirect_vreg.gather [hbm4b:s1+s3], $0x80, v3, vm0, $0xb8;
	[tilespmem:$0x1CF00] =	vst v63  }
0x141: {  	v3 =	vld [tilespmem:s31+$0xFFFFFFD0];
	_ =	sdelay $0x4  }
0x142: {  	v53 =	vperm.xlane v3, v0;
	_ =	sdelay $0x1  }
0x143: {  	v3 =	vperm.xlane v3, v2;
	v4 =	vadd.s32 v1, v53;
	_ =	sdelay $0x1  }
0x144: {  	v3 =	vadd.s32 v1, v3;
	_ =	sdelay $0x1  }
0x145: {  	s19 =	simm.s32 $0x12F00  }
0x146: {  	[tilespmem:s19], [sflag:$0x3] =	stream.indirect_vreg.gather [hbm4b:s1+s3], $0x80, v4, vm0, $0xb8;
	[tilespmem:$0x1CF00] =	vst v63  }
0x147: {  	s19 =	simm.s32 $0x13B00  }
0x148: {  	[tilespmem:s19], [sflag:$0x3] =	stream.indirect_vreg.gather [hbm4b:s1+s3], $0x80, v3, vm0, $0xb8;
	[tilespmem:$0x1CF00] =	vst v63  }
0x149: {  	v3 =	vld [tilespmem:s31+$0xFFFFFFE0];
	_ =	sdelay $0x4  }
0x14a: {  	v54 =	vperm.xlane v3, v0;
	_ =	sdelay $0x1  }
0x14b: {  	v3 =	vperm.xlane v3, v2;
	v4 =	vadd.s32 v1, v54;
	_ =	sdelay $0x1  }
0x14c: {  	v3 =	vadd.s32 v1, v3;
	_ =	sdelay $0x1  }
0x14d: {  	s19 =	simm.s32 $0x14700  }
0x14e: {  	[tilespmem:s19], [sflag:$0x3] =	stream.indirect_vreg.gather [hbm4b:s1+s3], $0x80, v4, vm0, $0xb8;
	[tilespmem:$0x1CF00] =	vst v63  }
0x14f: {  	s19 =	simm.s32 $0x15300  }
0x150: {  	[tilespmem:s19], [sflag:$0x3] =	stream.indirect_vreg.gather [hbm4b:s1+s3], $0x80, v3, vm0, $0xb8;
	[tilespmem:$0x1CF00] =	vst v63  }
0x151: {  	v3 =	vld [tilespmem:s31+$0xFFFFFFF0];
	_ =	sdelay $0x4  }
0x152: {  	v55 =	vperm.xlane v3, v0;
	_ =	sdelay $0x1  }
0x153: {  	v3 =	vperm.xlane v3, v2;
	v4 =	vadd.s32 v1, v55;
	_ =	sdelay $0x1  }
0x154: {  	v3 =	vadd.s32 v1, v3;
	_ =	sdelay $0x1  }
0x155: {  	s19 =	simm.s32 $0x15F00  }
0x156: {  	[tilespmem:s19], [sflag:$0x3] =	stream.indirect_vreg.gather [hbm4b:s1+s3], $0x80, v4, vm0, $0xb8;
	[tilespmem:$0x1CF00] =	vst v63  }
0x157: {  	s19 =	simm.s32 $0x16B00  }
0x158: {  	[tilespmem:s19], [sflag:$0x3] =	stream.indirect_vreg.gather [hbm4b:s1+s3], $0x80, v3, vm0, $0xb8;
	[tilespmem:$0x1CF00] =	vst v63  }
0x159: {  	_ =	swait.ge [sflag:s9], $0x2000  }
0x15a: {  	[sflag:s9] =	ssyncset.done $0x0  }
0x15b: {  	[sflag:s9] =	ssyncadd.s32 $0xFFFFE000  }
0x15c: {  	_ =	swait.ge [sflag:s9], $0x2000  }
0x15d: {  	[sflag:s9] =	ssyncset.done $0x0  }
0x15e: {  	[sflag:s9] =	ssyncadd.s32 $0xFFFFE000  }
0x15f: {  	_ =	swait.ge [sflag:s9], $0x2000  }
0x160: {  	p0 =	seq.s32 s20, $0x0;
	[sflag:s9] =	ssyncset.done $0x0  }
0x161: {  	s19 =	simm.s32 @!p0 $0x8;
	[sflag:s9] =	ssyncadd.s32 $0xFFFFE000  }
0x162: {  	[hbm4b:s17+s3] =	stream.linear.scatter [tilespmem:s18], [sflag:$0x5], $0x6000, $0x38;
	[tilespmem:$0x1CF00] =	vst v63  }
0x163: {  	_ =	swait.ge @!p0 [sflag:s19], $0x6000  }
0x164: {  	[sflag:s19] =	ssyncset.done @!p0 $0x0  }
0x165: {  	s14 =	sadd.s32 $0xC00, s11;
	[sflag:s19] =	ssyncadd.s32 @!p0 $0xFFFFA000  }
0x166: {  	[tilespmem:s10], [sflag:$0x4] =	stream.linear.gather [hbm4b:s14+s3], $0x400, $0x38;
	[tilespmem:$0x1CF00] =	vst v63  }
0x167: {  	s19 =	sadd.s32 $0xC80, s11;
	s14 =	simm.s32 $0x17B00  }
0x168: {  	[tilespmem:s14], [sflag:$0x4] =	stream.linear.gather [hbm4b:s19+s3], $0x400, $0x38;
	[tilespmem:$0x1CF00] =	vst v63  }
0x169: {  	s19 =	sadd.s32 $0xD00, s11;
	s14 =	simm.s32 $0x18700  }
0x16a: {  	[tilespmem:s14], [sflag:$0x4] =	stream.linear.gather [hbm4b:s19+s3], $0x400, $0x38;
	[tilespmem:$0x1CF00] =	vst v63  }
0x16b: {  	s19 =	sadd.s32 $0xD80, s11;
	s14 =	simm.s32 $0x19300  }
0x16c: {  	[tilespmem:s14], [sflag:$0x4] =	stream.linear.gather [hbm4b:s19+s3], $0x400, $0x38;
	[tilespmem:$0x1CF00] =	vst v63  }
0x16d: {  	s19 =	sadd.s32 $0xE00, s11;
	s14 =	simm.s32 $0x19F00  }
0x16e: {  	[tilespmem:s14], [sflag:$0x4] =	stream.linear.gather [hbm4b:s19+s3], $0x400, $0x38;
	[tilespmem:$0x1CF00] =	vst v63  }
0x16f: {  	s19 =	sadd.s32 $0xE80, s11;
	s14 =	simm.s32 $0x1AB00  }
0x170: {  	[tilespmem:s14], [sflag:$0x4] =	stream.linear.gather [hbm4b:s19+s3], $0x400, $0x38;
	[tilespmem:$0x1CF00] =	vst v63  }
0x171: {  	s19 =	sadd.s32 $0xF00, s11;
	s14 =	simm.s32 $0x1B700  }
0x172: {  	[tilespmem:s14], [sflag:$0x4] =	stream.linear.gather [hbm4b:s19+s3], $0x400, $0x38;
	[tilespmem:$0x1CF00] =	vst v63  }
0x173: {  	s19 =	sadd.s32 $0xF80, s11;
	s14 =	simm.s32 $0x1C300  }
0x174: {  	[tilespmem:s14], [sflag:$0x4] =	stream.linear.gather [hbm4b:s19+s3], $0x400, $0x38;
	[tilespmem:$0x1CF00] =	vst v63  }
0x175: {  	v3 =	vld [tilespmem:s2+$0x0];
	_ =	sdelay $0x4  }
0x176: {  	v56 =	vperm.xlane v3, v0;
	_ =	sdelay $0x1  }
0x177: {  	v3 =	vperm.xlane v3, v2;
	v4 =	vadd.s32 v1, v56;
	_ =	sdelay $0x1  }
0x178: {  	v3 =	vadd.s32 v1, v3;
	_ =	sdelay $0x1  }
0x179: {  	s19 =	simm.s32 $0x17300  }
0x17a: {  	[tilespmem:s19], [sflag:$0x4] =	stream.indirect_vreg.gather [hbm4b:s1+s3], $0x80, v4, vm0, $0xb8;
	[tilespmem:$0x1CF00] =	vst v63  }
0x17b: {  	s19 =	simm.s32 $0x17F00  }
0x17c: {  	[tilespmem:s19], [sflag:$0x4] =	stream.indirect_vreg.gather [hbm4b:s1+s3], $0x80, v3, vm0, $0xb8;
	[tilespmem:$0x1CF00] =	vst v63  }
0x17d: {  	v3 =	vld [tilespmem:s2+$0x10];
	_ =	sdelay $0x4  }
0x17e: {  	v57 =	vperm.xlane v3, v0;
	_ =	sdelay $0x1  }
0x17f: {  	v3 =	vperm.xlane v3, v2;
	v4 =	vadd.s32 v1, v57;
	_ =	sdelay $0x1  }
0x180: {  	v3 =	vadd.s32 v1, v3;
	_ =	sdelay $0x1  }
0x181: {  	s19 =	simm.s32 $0x18B00  }
0x182: {  	[tilespmem:s19], [sflag:$0x4] =	stream.indirect_vreg.gather [hbm4b:s1+s3], $0x80, v4, vm0, $0xb8;
	[tilespmem:$0x1CF00] =	vst v63  }
0x183: {  	s19 =	simm.s32 $0x19700  }
0x184: {  	[tilespmem:s19], [sflag:$0x4] =	stream.indirect_vreg.gather [hbm4b:s1+s3], $0x80, v3, vm0, $0xb8;
	[tilespmem:$0x1CF00] =	vst v63  }
0x185: {  	v3 =	vld [tilespmem:s2+$0x20];
	_ =	sdelay $0x4  }
0x186: {  	v58 =	vperm.xlane v3, v0;
	_ =	sdelay $0x1  }
0x187: {  	v3 =	vperm.xlane v3, v2;
	v4 =	vadd.s32 v1, v58;
	_ =	sdelay $0x1  }
0x188: {  	v3 =	vadd.s32 v1, v3;
	_ =	sdelay $0x1  }
0x189: {  	s19 =	simm.s32 $0x1A300  }
0x18a: {  	[tilespmem:s19], [sflag:$0x4] =	stream.indirect_vreg.gather [hbm4b:s1+s3], $0x80, v4, vm0, $0xb8;
	[tilespmem:$0x1CF00] =	vst v63  }
0x18b: {  	s19 =	simm.s32 $0x1AF00  }
0x18c: {  	[tilespmem:s19], [sflag:$0x4] =	stream.indirect_vreg.gather [hbm4b:s1+s3], $0x80, v3, vm0, $0xb8;
	[tilespmem:$0x1CF00] =	vst v63  }
0x18d: {  	v3 =	vld [tilespmem:s2+$0x30];
	_ =	sdelay $0x4  }
0x18e: {  	v59 =	vperm.xlane v3, v0;
	_ =	sdelay $0x1  }
0x18f: {  	v3 =	vperm.xlane v3, v2;
	v4 =	vadd.s32 v1, v59;
	_ =	sdelay $0x1  }
0x190: {  	v3 =	vadd.s32 v1, v3;
	_ =	sdelay $0x1  }
0x191: {  	s19 =	simm.s32 $0x1BB00  }
0x192: {  	[tilespmem:s19], [sflag:$0x4] =	stream.indirect_vreg.gather [hbm4b:s1+s3], $0x80, v4, vm0, $0xb8;
	[tilespmem:$0x1CF00] =	vst v63  }
0x193: {  	s19 =	simm.s32 $0x1C700  }
0x194: {  	[tilespmem:s19], [sflag:$0x4] =	stream.indirect_vreg.gather [hbm4b:s1+s3], $0x80, v3, vm0, $0xb8;
	[tilespmem:$0x1CF00] =	vst v63  }
0x195: {  	v3 =	vld [tilespmem:s31+$0x0];
	_ =	sdelay $0x4  }
0x196: {  	v60 =	vperm.xlane v3, v0;
	_ =	sdelay $0x1  }
0x197: {  	v3 =	vperm.xlane v3, v2;
	v4 =	vadd.s32 v1, v60;
	_ =	sdelay $0x1  }
0x198: {  	v3 =	vadd.s32 v1, v3;
	_ =	sdelay $0x1  }
0x199: {  	s19 =	simm.s32 $0x17700  }
0x19a: {  	[tilespmem:s19], [sflag:$0x4] =	stream.indirect_vreg.gather [hbm4b:s1+s3], $0x80, v4, vm0, $0xb8;
	[tilespmem:$0x1CF00] =	vst v63  }
0x19b: {  	s19 =	simm.s32 $0x18300  }
0x19c: {  	[tilespmem:s19], [sflag:$0x4] =	stream.indirect_vreg.gather [hbm4b:s1+s3], $0x80, v3, vm0, $0xb8;
	[tilespmem:$0x1CF00] =	vst v63  }
0x19d: {  	v3 =	vld [tilespmem:s31+$0x10];
	_ =	sdelay $0x4  }
0x19e: {  	v61 =	vperm.xlane v3, v0;
	_ =	sdelay $0x1  }
0x19f: {  	v3 =	vperm.xlane v3, v2;
	v4 =	vadd.s32 v1, v61;
	_ =	sdelay $0x1  }
0x1a0: {  	v3 =	vadd.s32 v1, v3;
	_ =	sdelay $0x1  }
0x1a1: {  	s19 =	simm.s32 $0x18F00  }
0x1a2: {  	[tilespmem:s19], [sflag:$0x4] =	stream.indirect_vreg.gather [hbm4b:s1+s3], $0x80, v4, vm0, $0xb8;
	[tilespmem:$0x1CF00] =	vst v63  }
0x1a3: {  	_ = 	snop  }
0x1a4: {  	[tilespmem:s15], [sflag:$0x4] =	stream.indirect_vreg.gather [hbm4b:s1+s3], $0x80, v3, vm0, $0xb8;
	[tilespmem:$0x1CF00] =	vst v63  }
0x1a5: {  	v3 =	vld [tilespmem:s31+$0x20];
	_ =	sdelay $0x4  }
0x1a6: {  	v62 =	vperm.xlane v3, v0;
	_ =	sdelay $0x1  }
0x1a7: {  	v3 =	vperm.xlane v3, v2;
	v4 =	vadd.s32 v1, v62;
	_ =	sdelay $0x1  }
0x1a8: {  	v3 =	vadd.s32 v1, v3;
	_ =	sdelay $0x2  }
0x1a9: {  	[tilespmem:s16], [sflag:$0x4] =	stream.indirect_vreg.gather [hbm4b:s1+s3], $0x80, v4, vm0, $0xb8;
	[tilespmem:$0x1CF00] =	vst v63  }
0x1aa: {  	_ = 	snop  }
0x1ab: {  	[tilespmem:s29], [sflag:$0x4] =	stream.indirect_vreg.gather [hbm4b:s1+s3], $0x80, v3, vm0, $0xb8;
	[tilespmem:$0x1CF00] =	vst v63  }
0x1ac: {  	v3 =	vld [tilespmem:s31+$0x30];
	_ =	sdelay $0x4  }
0x1ad: {  	v63 =	vperm.xlane v3, v0;
	_ =	sdelay $0x1  }
0x1ae: {  	v3 =	vperm.xlane v3, v2;
	v4 =	vadd.s32 v1, v63;
	_ =	sdelay $0x1  }
0x1af: {  	v3 =	vadd.s32 v1, v3;
	_ =	sdelay $0x2  }
0x1b0: {  	[tilespmem:s6], [sflag:$0x4] =	stream.indirect_vreg.gather [hbm4b:s1+s3], $0x80, v4, vm0, $0xb8;
	[tilespmem:$0x1CF00] =	vst v63  }
0x1b1: {  	_ = 	snop  }
0x1b2: {  	[tilespmem:s30], [sflag:$0x4] =	stream.indirect_vreg.gather [hbm4b:s1+s3], $0x80, v3, vm0, $0xb8;
	[tilespmem:$0x1CF00] =	vst v63  }
0x1b3: {  	_ =	swait.ge [sflag:s22], $0x2000  }
0x1b4: {  	[sflag:s22] =	ssyncset.done $0x0  }
0x1b5: {  	[sflag:s22] =	ssyncadd.s32 $0xFFFFE000  }
0x1b6: {  	_ =	swait.ge [sflag:s22], $0x2000  }
0x1b7: {  	p0 =	seq.s32 s20, $0x26000;
	[sflag:s22] =	ssyncset.done $0x0  }
.Ltmp4:
0x1b8: {  	[sflag:s22] =	ssyncadd.s32 $0xFFFFE000;
	(pc) =	sbr.rel @p0 .LBB2_4-.Ltmp4, $4  }
0x1b9: {  	_ =	swait.ge [sflag:s22], $0x2000  }
0x1ba: {  	[sflag:s22] =	ssyncset.done $0x0  }
0x1bb: {  	[sflag:s22] =	ssyncadd.s32 $0xFFFFE000  }
0x1bc: {  	[hbm4b:s5+s3] =	stream.linear.scatter [tilespmem:s8], [sflag:$0x6], $0x6000, $0x38;
	[tilespmem:$0x1CF00] =	vst v63  }
0x1bd: {  	_ =	swait.ge [sflag:s25], $0x6000  }
0x1be: {  	[sflag:s25] =	ssyncset.done $0x0  }
0x1bf: {  	s19 =	sadd.s32 $0x1000, s11;
	[sflag:s25] =	ssyncadd.s32 $0xFFFFA000  }
0x1c0: {  	[tilespmem:s18], [sflag:$0x1] =	stream.linear.gather [hbm4b:s19+s3], $0x400, $0x38;
	[tilespmem:$0x1CF00] =	vst v63  }
0x1c1: {  	s14 =	sadd.s32 $0x1080, s11;
	s13 =	simm.s32 $0x5B00  }
0x1c2: {  	[tilespmem:s13], [sflag:$0x1] =	stream.linear.gather [hbm4b:s14+s3], $0x400, $0x38;
	[tilespmem:$0x1CF00] =	vst v63  }
0x1c3: {  	s13 =	sadd.s32 $0x1100, s11;
	s14 =	simm.s32 $0x6700  }
0x1c4: {  	[tilespmem:s14], [sflag:$0x1] =	stream.linear.gather [hbm4b:s13+s3], $0x400, $0x38;
	[tilespmem:$0x1CF00] =	vst v63  }
0x1c5: {  	s13 =	sadd.s32 $0x1180, s11;
	s14 =	simm.s32 $0x7300  }
0x1c6: {  	[tilespmem:s14], [sflag:$0x1] =	stream.linear.gather [hbm4b:s13+s3], $0x400, $0x38;
	[tilespmem:$0x1CF00] =	vst v63  }
0x1c7: {  	s13 =	sadd.s32 $0x1200, s11;
	s14 =	simm.s32 $0x7F00  }
0x1c8: {  	[tilespmem:s14], [sflag:$0x1] =	stream.linear.gather [hbm4b:s13+s3], $0x400, $0x38;
	[tilespmem:$0x1CF00] =	vst v63  }
0x1c9: {  	s13 =	sadd.s32 $0x1280, s11;
	s14 =	simm.s32 $0x8B00  }
0x1ca: {  	[tilespmem:s14], [sflag:$0x1] =	stream.linear.gather [hbm4b:s13+s3], $0x400, $0x38;
	[tilespmem:$0x1CF00] =	vst v63  }
0x1cb: {  	s13 =	sadd.s32 $0x1300, s11;
	s14 =	simm.s32 $0x9700  }
0x1cc: {  	[tilespmem:s14], [sflag:$0x1] =	stream.linear.gather [hbm4b:s13+s3], $0x400, $0x38;
	[tilespmem:$0x1CF00] =	vst v63  }
0x1cd: {  	s13 =	sadd.s32 $0x1380, s11;
	s14 =	simm.s32 $0xA300  }
0x1ce: {  	[tilespmem:s14], [sflag:$0x1] =	stream.linear.gather [hbm4b:s13+s3], $0x400, $0x38;
	[tilespmem:$0x1CF00] =	vst v63  }
0x1cf: {  	v3 =	vld [tilespmem:s2+$0x40];
	_ =	sdelay $0x4  }
0x1d0: {  	v4 =	vperm.xlane v3, v0;
	_ =	sdelay $0x1  }
0x1d1: {  	v3 =	vperm.xlane v3, v2;
	v4 =	vadd.s32 v1, v4;
	_ =	sdelay $0x1  }
0x1d2: {  	v3 =	vadd.s32 v1, v3;
	_ =	sdelay $0x1  }
0x1d3: {  	s13 =	simm.s32 $0x5300  }
0x1d4: {  	[tilespmem:s13], [sflag:$0x1] =	stream.indirect_vreg.gather [hbm4b:s1+s3], $0x80, v4, vm0, $0xb8;
	[tilespmem:$0x1CF00] =	vst v63  }
0x1d5: {  	s14 =	simm.s32 $0x5F00  }
0x1d6: {  	[tilespmem:s14], [sflag:$0x1] =	stream.indirect_vreg.gather [hbm4b:s1+s3], $0x80, v3, vm0, $0xb8;
	[tilespmem:$0x1CF00] =	vst v63  }
0x1d7: {  	v3 =	vld [tilespmem:s2+$0x50];
	_ =	sdelay $0x4  }
0x1d8: {  	v57 =	vperm.xlane v3, v0;
	_ =	sdelay $0x1  }
0x1d9: {  	v3 =	vperm.xlane v3, v2;
	v4 =	vadd.s32 v1, v57;
	_ =	sdelay $0x1  }
0x1da: {  	v3 =	vadd.s32 v1, v3;
	_ =	sdelay $0x1  }
0x1db: {  	s14 =	simm.s32 $0x6B00  }
0x1dc: {  	[tilespmem:s14], [sflag:$0x1] =	stream.indirect_vreg.gather [hbm4b:s1+s3], $0x80, v4, vm0, $0xb8;
	[tilespmem:$0x1CF00] =	vst v63  }
0x1dd: {  	s14 =	simm.s32 $0x7700  }
0x1de: {  	[tilespmem:s14], [sflag:$0x1] =	stream.indirect_vreg.gather [hbm4b:s1+s3], $0x80, v3, vm0, $0xb8;
	[tilespmem:$0x1CF00] =	vst v63  }
0x1df: {  	v3 =	vld [tilespmem:s2+$0x60];
	_ =	sdelay $0x4  }
0x1e0: {  	v58 =	vperm.xlane v3, v0;
	_ =	sdelay $0x1  }
0x1e1: {  	v3 =	vperm.xlane v3, v2;
	v4 =	vadd.s32 v1, v58;
	_ =	sdelay $0x1  }
0x1e2: {  	v3 =	vadd.s32 v1, v3;
	_ =	sdelay $0x1  }
0x1e3: {  	s14 =	simm.s32 $0x8300  }
0x1e4: {  	[tilespmem:s14], [sflag:$0x1] =	stream.indirect_vreg.gather [hbm4b:s1+s3], $0x80, v4, vm0, $0xb8;
	[tilespmem:$0x1CF00] =	vst v63  }
0x1e5: {  	s14 =	simm.s32 $0x8F00  }
0x1e6: {  	[tilespmem:s14], [sflag:$0x1] =	stream.indirect_vreg.gather [hbm4b:s1+s3], $0x80, v3, vm0, $0xb8;
	[tilespmem:$0x1CF00] =	vst v63  }
0x1e7: {  	v3 =	vld [tilespmem:s2+$0x70];
	_ =	sdelay $0x4  }
0x1e8: {  	v59 =	vperm.xlane v3, v0;
	_ =	sdelay $0x1  }
0x1e9: {  	v3 =	vperm.xlane v3, v2;
	v4 =	vadd.s32 v1, v59;
	_ =	sdelay $0x1  }
0x1ea: {  	v3 =	vadd.s32 v1, v3;
	_ =	sdelay $0x1  }
0x1eb: {  	s14 =	simm.s32 $0x9B00  }
0x1ec: {  	[tilespmem:s14], [sflag:$0x1] =	stream.indirect_vreg.gather [hbm4b:s1+s3], $0x80, v4, vm0, $0xb8;
	[tilespmem:$0x1CF00] =	vst v63  }
0x1ed: {  	s14 =	simm.s32 $0xA700  }
0x1ee: {  	[tilespmem:s14], [sflag:$0x1] =	stream.indirect_vreg.gather [hbm4b:s1+s3], $0x80, v3, vm0, $0xb8;
	[tilespmem:$0x1CF00] =	vst v63  }
0x1ef: {  	v3 =	vld [tilespmem:s31+$0x40];
	_ =	sdelay $0x4  }
0x1f0: {  	v60 =	vperm.xlane v3, v0;
	_ =	sdelay $0x1  }
0x1f1: {  	v3 =	vperm.xlane v3, v2;
	v4 =	vadd.s32 v1, v60;
	_ =	sdelay $0x1  }
0x1f2: {  	v3 =	vadd.s32 v1, v3;
	_ =	sdelay $0x1  }
0x1f3: {  	s14 =	simm.s32 $0x5700  }
0x1f4: {  	[tilespmem:s14], [sflag:$0x1] =	stream.indirect_vreg.gather [hbm4b:s1+s3], $0x80, v4, vm0, $0xb8;
	[tilespmem:$0x1CF00] =	vst v63  }
0x1f5: {  	s14 =	simm.s32 $0x6300  }
0x1f6: {  	[tilespmem:s14], [sflag:$0x1] =	stream.indirect_vreg.gather [hbm4b:s1+s3], $0x80, v3, vm0, $0xb8;
	[tilespmem:$0x1CF00] =	vst v63  }
0x1f7: {  	v3 =	vld [tilespmem:s31+$0x50];
	_ =	sdelay $0x4  }
0x1f8: {  	v61 =	vperm.xlane v3, v0;
	_ =	sdelay $0x1  }
0x1f9: {  	v3 =	vperm.xlane v3, v2;
	v4 =	vadd.s32 v1, v61;
	_ =	sdelay $0x1  }
0x1fa: {  	v3 =	vadd.s32 v1, v3;
	_ =	sdelay $0x1  }
0x1fb: {  	s14 =	simm.s32 $0x6F00  }
0x1fc: {  	[tilespmem:s14], [sflag:$0x1] =	stream.indirect_vreg.gather [hbm4b:s1+s3], $0x80, v4, vm0, $0xb8;
	[tilespmem:$0x1CF00] =	vst v63  }
0x1fd: {  	s14 =	simm.s32 $0x7B00  }
0x1fe: {  	[tilespmem:s14], [sflag:$0x1] =	stream.indirect_vreg.gather [hbm4b:s1+s3], $0x80, v3, vm0, $0xb8;
	[tilespmem:$0x1CF00] =	vst v63  }
0x1ff: {  	v3 =	vld [tilespmem:s31+$0x60];
	_ =	sdelay $0x4  }
0x200: {  	v62 =	vperm.xlane v3, v0;
	_ =	sdelay $0x1  }
0x201: {  	v3 =	vperm.xlane v3, v2;
	v4 =	vadd.s32 v1, v62;
	_ =	sdelay $0x1  }
0x202: {  	v3 =	vadd.s32 v1, v3;
	_ =	sdelay $0x1  }
0x203: {  	s14 =	simm.s32 $0x8700  }
0x204: {  	[tilespmem:s14], [sflag:$0x1] =	stream.indirect_vreg.gather [hbm4b:s1+s3], $0x80, v4, vm0, $0xb8;
	[tilespmem:$0x1CF00] =	vst v63  }
0x205: {  	s14 =	simm.s32 $0x9300  }
0x206: {  	[tilespmem:s14], [sflag:$0x1] =	stream.indirect_vreg.gather [hbm4b:s1+s3], $0x80, v3, vm0, $0xb8;
	[tilespmem:$0x1CF00] =	vst v63  }
0x207: {  	v3 =	vld [tilespmem:s31+$0x70];
	_ =	sdelay $0x4  }
0x208: {  	v63 =	vperm.xlane v3, v0;
	_ =	sdelay $0x1  }
0x209: {  	v3 =	vperm.xlane v3, v2;
	v4 =	vadd.s32 v1, v63;
	_ =	sdelay $0x1  }
0x20a: {  	v3 =	vadd.s32 v1, v3;
	_ =	sdelay $0x1  }
0x20b: {  	s14 =	simm.s32 $0x9F00  }
0x20c: {  	[tilespmem:s14], [sflag:$0x1] =	stream.indirect_vreg.gather [hbm4b:s1+s3], $0x80, v4, vm0, $0xb8;
	[tilespmem:$0x1CF00] =	vst v63  }
0x20d: {  	s14 =	simm.s32 $0xAB00  }
0x20e: {  	[tilespmem:s14], [sflag:$0x1] =	stream.indirect_vreg.gather [hbm4b:s1+s3], $0x80, v3, vm0, $0xb8;
	[tilespmem:$0x1CF00] =	vst v63  }
.LBB2_4:
0x20f: {  	_ =	swait.ge [sflag:s23], $0x2000  }
0x210: {  	[sflag:s23] =	ssyncset.done $0x0  }
0x211: {  	[sflag:s23] =	ssyncadd.s32 $0xFFFFE000  }
0x212: {  	_ =	swait.ge [sflag:s23], $0x2000  }
0x213: {  	[sflag:s23] =	ssyncset.done $0x0  }
.Ltmp5:
0x214: {  	[sflag:s23] =	ssyncadd.s32 $0xFFFFE000;
	(pc) =	sbr.rel @p0 .LBB2_6-.Ltmp5, $4  }
0x215: {  	_ =	swait.ge [sflag:s23], $0x2000  }
0x216: {  	[sflag:s23] =	ssyncset.done $0x0  }
0x217: {  	[sflag:s23] =	ssyncadd.s32 $0xFFFFE000  }
0x218: {  	[hbm4b:s4+s3] =	stream.linear.scatter [tilespmem:s7], [sflag:$0x7], $0x6000, $0x38;
	[tilespmem:$0x1CF00] =	vst v63  }
0x219: {  	_ =	swait.ge [sflag:s26], $0x6000  }
0x21a: {  	[sflag:s26] =	ssyncset.done $0x0  }
0x21b: {  	s19 =	sadd.s32 $0x1400, s11;
	[sflag:s26] =	ssyncadd.s32 $0xFFFFA000  }
0x21c: {  	[tilespmem:s8], [sflag:$0x2] =	stream.linear.gather [hbm4b:s19+s3], $0x400, $0x38;
	[tilespmem:$0x1CF00] =	vst v63  }
0x21d: {  	s14 =	sadd.s32 $0x1480, s11;
	s21 =	simm.s32 $0xBB00  }
0x21e: {  	[tilespmem:s21], [sflag:$0x2] =	stream.linear.gather [hbm4b:s14+s3], $0x400, $0x38;
	[tilespmem:$0x1CF00] =	vst v63  }
0x21f: {  	s21 =	sadd.s32 $0x1500, s11;
	s14 =	simm.s32 $0xC700  }
0x220: {  	[tilespmem:s14], [sflag:$0x2] =	stream.linear.gather [hbm4b:s21+s3], $0x400, $0x38;
	[tilespmem:$0x1CF00] =	vst v63  }
0x221: {  	s21 =	sadd.s32 $0x1580, s11;
	s14 =	simm.s32 $0xD300  }
0x222: {  	[tilespmem:s14], [sflag:$0x2] =	stream.linear.gather [hbm4b:s21+s3], $0x400, $0x38;
	[tilespmem:$0x1CF00] =	vst v63  }
0x223: {  	s21 =	sadd.s32 $0x1600, s11;
	s14 =	simm.s32 $0xDF00  }
0x224: {  	[tilespmem:s14], [sflag:$0x2] =	stream.linear.gather [hbm4b:s21+s3], $0x400, $0x38;
	[tilespmem:$0x1CF00] =	vst v63  }
0x225: {  	s21 =	sadd.s32 $0x1680, s11;
	s14 =	simm.s32 $0xEB00  }
0x226: {  	[tilespmem:s14], [sflag:$0x2] =	stream.linear.gather [hbm4b:s21+s3], $0x400, $0x38;
	[tilespmem:$0x1CF00] =	vst v63  }
0x227: {  	s21 =	sadd.s32 $0x1700, s11;
	s14 =	simm.s32 $0xF700  }
0x228: {  	[tilespmem:s14], [sflag:$0x2] =	stream.linear.gather [hbm4b:s21+s3], $0x400, $0x38;
	[tilespmem:$0x1CF00] =	vst v63  }
0x229: {  	s19 =	sadd.s32 $0x1780, s11;
	s14 =	simm.s32 $0x10300  }
0x22a: {  	[tilespmem:s14], [sflag:$0x2] =	stream.linear.gather [hbm4b:s19+s3], $0x400, $0x38;
	[tilespmem:$0x1CF00] =	vst v63  }
0x22b: {  	v3 =	vld [tilespmem:s2+$0x80];
	_ =	sdelay $0x4  }
0x22c: {  	v4 =	vperm.xlane v3, v0;
	_ =	sdelay $0x1  }
0x22d: {  	v3 =	vperm.xlane v3, v2;
	v4 =	vadd.s32 v1, v4;
	_ =	sdelay $0x1  }
0x22e: {  	v3 =	vadd.s32 v1, v3;
	_ =	sdelay $0x1  }
0x22f: {  	s14 =	simm.s32 $0xB300  }
0x230: {  	[tilespmem:s14], [sflag:$0x2] =	stream.indirect_vreg.gather [hbm4b:s1+s3], $0x80, v4, vm0, $0xb8;
	[tilespmem:$0x1CF00] =	vst v63  }
0x231: {  	s19 =	simm.s32 $0xBF00  }
0x232: {  	[tilespmem:s19], [sflag:$0x2] =	stream.indirect_vreg.gather [hbm4b:s1+s3], $0x80, v3, vm0, $0xb8;
	[tilespmem:$0x1CF00] =	vst v63  }
0x233: {  	v3 =	vld [tilespmem:s2+$0x90];
	_ =	sdelay $0x4  }
0x234: {  	v57 =	vperm.xlane v3, v0;
	_ =	sdelay $0x1  }
0x235: {  	v3 =	vperm.xlane v3, v2;
	v4 =	vadd.s32 v1, v57;
	_ =	sdelay $0x1  }
0x236: {  	v3 =	vadd.s32 v1, v3;
	_ =	sdelay $0x1  }
0x237: {  	s14 =	simm.s32 $0xCB00  }
0x238: {  	[tilespmem:s14], [sflag:$0x2] =	stream.indirect_vreg.gather [hbm4b:s1+s3], $0x80, v4, vm0, $0xb8;
	[tilespmem:$0x1CF00] =	vst v63  }
0x239: {  	s19 =	simm.s32 $0xD700  }
0x23a: {  	[tilespmem:s19], [sflag:$0x2] =	stream.indirect_vreg.gather [hbm4b:s1+s3], $0x80, v3, vm0, $0xb8;
	[tilespmem:$0x1CF00] =	vst v63  }
0x23b: {  	v3 =	vld [tilespmem:s2+$0xA0];
	_ =	sdelay $0x4  }
0x23c: {  	v58 =	vperm.xlane v3, v0;
	_ =	sdelay $0x1  }
0x23d: {  	v3 =	vperm.xlane v3, v2;
	v4 =	vadd.s32 v1, v58;
	_ =	sdelay $0x1  }
0x23e: {  	v3 =	vadd.s32 v1, v3;
	_ =	sdelay $0x1  }
0x23f: {  	s14 =	simm.s32 $0xE300  }
0x240: {  	[tilespmem:s14], [sflag:$0x2] =	stream.indirect_vreg.gather [hbm4b:s1+s3], $0x80, v4, vm0, $0xb8;
	[tilespmem:$0x1CF00] =	vst v63  }
0x241: {  	s19 =	simm.s32 $0xEF00  }
0x242: {  	[tilespmem:s19], [sflag:$0x2] =	stream.indirect_vreg.gather [hbm4b:s1+s3], $0x80, v3, vm0, $0xb8;
	[tilespmem:$0x1CF00] =	vst v63  }
0x243: {  	v3 =	vld [tilespmem:s2+$0xB0];
	_ =	sdelay $0x4  }
0x244: {  	v59 =	vperm.xlane v3, v0;
	_ =	sdelay $0x1  }
0x245: {  	v3 =	vperm.xlane v3, v2;
	v4 =	vadd.s32 v1, v59;
	_ =	sdelay $0x1  }
0x246: {  	v3 =	vadd.s32 v1, v3;
	_ =	sdelay $0x1  }
0x247: {  	s14 =	simm.s32 $0xFB00  }
0x248: {  	[tilespmem:s14], [sflag:$0x2] =	stream.indirect_vreg.gather [hbm4b:s1+s3], $0x80, v4, vm0, $0xb8;
	[tilespmem:$0x1CF00] =	vst v63  }
0x249: {  	s19 =	simm.s32 $0x10700  }
0x24a: {  	[tilespmem:s19], [sflag:$0x2] =	stream.indirect_vreg.gather [hbm4b:s1+s3], $0x80, v3, vm0, $0xb8;
	[tilespmem:$0x1CF00] =	vst v63  }
0x24b: {  	v3 =	vld [tilespmem:s31+$0x80];
	_ =	sdelay $0x4  }
0x24c: {  	v60 =	vperm.xlane v3, v0;
	_ =	sdelay $0x1  }
0x24d: {  	v3 =	vperm.xlane v3, v2;
	v4 =	vadd.s32 v1, v60;
	_ =	sdelay $0x1  }
0x24e: {  	v3 =	vadd.s32 v1, v3;
	_ =	sdelay $0x1  }
0x24f: {  	s14 =	simm.s32 $0xB700  }
0x250: {  	[tilespmem:s14], [sflag:$0x2] =	stream.indirect_vreg.gather [hbm4b:s1+s3], $0x80, v4, vm0, $0xb8;
	[tilespmem:$0x1CF00] =	vst v63  }
0x251: {  	s19 =	simm.s32 $0xC300  }
0x252: {  	[tilespmem:s19], [sflag:$0x2] =	stream.indirect_vreg.gather [hbm4b:s1+s3], $0x80, v3, vm0, $0xb8;
	[tilespmem:$0x1CF00] =	vst v63  }
0x253: {  	v3 =	vld [tilespmem:s31+$0x90];
	_ =	sdelay $0x4  }
0x254: {  	v61 =	vperm.xlane v3, v0;
	_ =	sdelay $0x1  }
0x255: {  	v3 =	vperm.xlane v3, v2;
	v4 =	vadd.s32 v1, v61;
	_ =	sdelay $0x1  }
0x256: {  	v3 =	vadd.s32 v1, v3;
	_ =	sdelay $0x1  }
0x257: {  	s14 =	simm.s32 $0xCF00  }
0x258: {  	[tilespmem:s14], [sflag:$0x2] =	stream.indirect_vreg.gather [hbm4b:s1+s3], $0x80, v4, vm0, $0xb8;
	[tilespmem:$0x1CF00] =	vst v63  }
0x259: {  	s19 =	simm.s32 $0xDB00  }
0x25a: {  	[tilespmem:s19], [sflag:$0x2] =	stream.indirect_vreg.gather [hbm4b:s1+s3], $0x80, v3, vm0, $0xb8;
	[tilespmem:$0x1CF00] =	vst v63  }
0x25b: {  	v3 =	vld [tilespmem:s31+$0xA0];
	_ =	sdelay $0x4  }
0x25c: {  	v62 =	vperm.xlane v3, v0;
	_ =	sdelay $0x1  }
0x25d: {  	v3 =	vperm.xlane v3, v2;
	v4 =	vadd.s32 v1, v62;
	_ =	sdelay $0x1  }
0x25e: {  	v3 =	vadd.s32 v1, v3;
	_ =	sdelay $0x1  }
0x25f: {  	s14 =	simm.s32 $0xE700  }
0x260: {  	[tilespmem:s14], [sflag:$0x2] =	stream.indirect_vreg.gather [hbm4b:s1+s3], $0x80, v4, vm0, $0xb8;
	[tilespmem:$0x1CF00] =	vst v63  }
0x261: {  	s19 =	simm.s32 $0xF300  }
0x262: {  	[tilespmem:s19], [sflag:$0x2] =	stream.indirect_vreg.gather [hbm4b:s1+s3], $0x80, v3, vm0, $0xb8;
	[tilespmem:$0x1CF00] =	vst v63  }
0x263: {  	v3 =	vld [tilespmem:s31+$0xB0];
	_ =	sdelay $0x4  }
0x264: {  	v63 =	vperm.xlane v3, v0;
	_ =	sdelay $0x1  }
0x265: {  	v3 =	vperm.xlane v3, v2;
	v4 =	vadd.s32 v1, v63;
	_ =	sdelay $0x1  }
0x266: {  	v3 =	vadd.s32 v1, v3  }
.Ltmp6:
0x267: {  	_ = 	snop;
	(pc) =	sbr.rel .LBB2_6-.Ltmp6, $4  }
0x268: {  	s14 =	simm.s32 $0xFF00  }
0x269: {  	[tilespmem:s14], [sflag:$0x2] =	stream.indirect_vreg.gather [hbm4b:s1+s3], $0x80, v4, vm0, $0xb8;
	[tilespmem:$0x1CF00] =	vst v63  }
0x26a: {  	s21 =	simm.s32 $0x11B00;
	s19 =	simm.s32 $0x10B00  }
0x26b: {  	[tilespmem:s19], [sflag:$0x2] =	stream.indirect_vreg.gather [hbm4b:s1+s3], $0x80, v3, vm0, $0xb8;
	[tilespmem:$0x1CF00] =	vst v63  }
.LBB2_8:
0x26c: {  	_ =	sfence.sel $0x180000  }
0x26d: {  	[bflag:$0x0] =	sbarrier.arrive $0xFFFF  }
0x26e: {  	_ =	strace $0x90000047  }
0x26f: {  	s0 =	stileid.u32;
	[bflag:$0x2] =	sbarrier.arrive $0xFFFF  }
0x270: {  	p0 =	sne.s32 s0, $0x0;
	s0 =	rddreg [dreg:$0x4]  }
0x271: {  	s0 =	sadd.s32 @!p0 $0x100000, s0  }
0x272: {  	[sflag:s0] =	ssyncadd.tile.s32 @!p0 $0x1;
	_ =	shalt  }
.Lfunc_end2:
_tile_overlayer_lowered:
.L_overlay_start_2:
0x273: {  	(tag) =	ssettag $0x2  }
0x274: {  	s0 =	rddreg [dreg:$0x0];
	s2 =	stileid.u32  }
0x275: {  	s1 =	rddreg [dreg:$0x1];
	p0 =	sne.s32 s2, $0x0  }
0x276: {  	s3 =	rddreg [dreg:$0x2];
	[bflag:$0x3] =	sbarrier.arrive $0xFFFF;
	s2 =	simm.s32 @!p0 $0x1C09  }
0x277: {  	[timem:s3], [sflag:s2] =	dma.local @!p0 [hbm:s0], s1  }
0x278: {  	s0 =	simm.s32 @!p0 $0x9  }
0x279: {  	_ =	swait.ge @!p0 [sflag:s0], s1  }
0x27a: {  	s1 =	ssub.s32 @!p0 $0x0, s1;
	[sflag:s0] =	ssyncset.done @!p0 $0x0  }
0x27b: {  	[sflag:s0] =	ssyncadd.s32 @!p0 s1  }
0x27c: {  	[bflag:$0x3] =	sbarrier.arrive $0xFFFF  }
0x27d: {  	_ =	shalt  }

</sc_bundles>
